<compile_context>
chip_gen: v7x
topology: tpu7x:2x2x1
jax: 0.10.2.dev20260603
libtpu: 0.0.44.dev20260713+nightly
codegen_flags: <defaults>
</compile_context>

<pallas_src>
import functools

import jax
import jax.numpy as jnp
from jax import lax
from jax.experimental import pallas as pl
from jax.experimental.pallas import tpu as pltpu
from jax.experimental.pallas import tpu_sc as plsc

N = 10000
H = 128
NC = 2
NS = 16
CHUNK = 128
N_ACC = 10240
ZROWS = N_ACC // NS
BR = 2000


def _mesh():
    return plsc.VectorSubcoreMesh(
        core_axis_name="c", subcore_axis_name="s", num_cores=NC, num_subcores=NS
    )


def _make_scatter(total_chunks, cpt0):
    cpt1 = total_chunks // NS - cpt0

    @functools.partial(
        pl.kernel,
        mesh=_mesh(),
        out_type=jax.ShapeDtypeStruct((NC * N_ACC, H), jnp.float32),
        scratch_types=[
            pltpu.VMEM((CHUNK,), jnp.int32),
            pltpu.VMEM((CHUNK,), jnp.int32),
            pltpu.VMEM((CHUNK, H), jnp.float32),
            pltpu.VMEM_SHARED((N_ACC, H), jnp.float32),
            pltpu.SemaphoreType.DMA,
        ],
    )
    def scatter_k(xls_hbm, row_hbm, col_hbm, zeros_hbm, out_hbm,
                  row_v, col_v, rows_v, acc_sh, gsem):
        cid = lax.axis_index("c")
        sid = lax.axis_index("s")
        pltpu.sync_copy(zeros_hbm, acc_sh.at[pl.ds(sid * ZROWS, ZROWS)])
        plsc.subcore_barrier()
        cnt = lax.select(cid == 0, cpt0, cpt1)
        base = lax.select(cid == 0, sid * cpt0, NS * cpt0 + sid * cpt1)

        def body(g, carry):
            chunk = base + g
            pltpu.sync_copy(row_hbm.at[chunk], row_v)
            pltpu.sync_copy(col_hbm.at[chunk], col_v)
            pltpu.async_copy(xls_hbm.at[row_v], rows_v, gsem).wait()
            pltpu.sync_copy(rows_v, acc_sh.at[col_v], add=True)
            return carry

        lax.fori_loop(0, cnt, body, 0)
        plsc.subcore_barrier()
        off = cid * N_ACC + sid * ZROWS
        pltpu.sync_copy(acc_sh.at[pl.ds(sid * ZROWS, ZROWS)],
                        out_hbm.at[pl.ds(off, ZROWS)])

    return scatter_k


def _make_degree(total_chunks, w=32):
    cpt = total_chunks // NS

    @functools.partial(
        pl.kernel,
        mesh=_mesh(),
        out_type=jax.ShapeDtypeStruct((NC * N_ACC, w), jnp.float32),
        scratch_types=[
            pltpu.VMEM((CHUNK,), jnp.int32),
            pltpu.VMEM((CHUNK, w), jnp.float32),
            pltpu.VMEM_SHARED((N_ACC, w), jnp.float32),
        ],
    )
    def degree_k(cols_hbm, ones_hbm, zeros_hbm, out_hbm, col_v, ones_v,
                 acc_sh):
        cid = lax.axis_index("c")
        sid = lax.axis_index("s")
        pltpu.sync_copy(zeros_hbm, acc_sh.at[pl.ds(sid * ZROWS, ZROWS)])
        pltpu.sync_copy(ones_hbm, ones_v)
        plsc.subcore_barrier()
        base = cid * total_chunks + sid * cpt

        def body(g, carry):
            pltpu.sync_copy(cols_hbm.at[base + g], col_v)
            pltpu.sync_copy(ones_v, acc_sh.at[col_v], add=True)
            return carry

        lax.fori_loop(0, cpt, body, 0)
        plsc.subcore_barrier()
        off = cid * N_ACC + sid * ZROWS
        pltpu.sync_copy(acc_sh.at[pl.ds(sid * ZROWS, ZROWS)],
                        out_hbm.at[pl.ds(off, ZROWS)])

    return degree_k



def _row_spec():
    return pl.BlockSpec((BR, H), lambda i: (i, 0))


def _fix_spec(shape):
    return pl.BlockSpec(shape, lambda i: tuple(0 for _ in shape))


def _mm_bias_body(x_ref, w_ref, b_ref, o_ref):
    o_ref[...] = (
        jnp.dot(x_ref[...], w_ref[...], preferred_element_type=jnp.float32)
        + b_ref[...]
    )


def _mm_bias(x, w, b):
    return pl.pallas_call(
        _mm_bias_body,
        grid=(N // BR,),
        in_specs=[_row_spec(), _fix_spec((H, H)), _fix_spec((1, H))],
        out_specs=_row_spec(),
        out_shape=jax.ShapeDtypeStruct((N, H), jnp.float32),
    )(x, w, b.reshape(1, H))


def _mm_scale_body(x_ref, w_ref, d_ref, o_ref):
    o_ref[...] = (
        jnp.dot(x_ref[...], w_ref[...], preferred_element_type=jnp.float32)
        * d_ref[...]
    )


def _mm_scale(x, w, dinv):
    return pl.pallas_call(
        _mm_scale_body,
        grid=(N // BR,),
        in_specs=[_row_spec(), _fix_spec((H, H)), _row_spec()],
        out_specs=_row_spec(),
        out_shape=jax.ShapeDtypeStruct((N, H), jnp.float32),
    )(x, w, dinv)


def _epi_body(h_ref, xls_ref, a0_ref, a1_ref, d_ref, bl_ref, g_ref, be_ref, o_ref):
    s = d_ref[...] * (a0_ref[...] + a1_ref[...] + xls_ref[...]) + bl_ref[...]
    t = h_ref[...] + s
    m = jnp.mean(t, axis=-1, keepdims=True)
    v = jnp.mean((t - m) ** 2, axis=-1, keepdims=True)
    t = (t - m) * lax.rsqrt(v + 1e-5) * g_ref[...] + be_ref[...]
    o_ref[...] = jnp.maximum(t, 0.0)


def _epi(h, xls, a0, a1, dinv, bl, g, be):
    return pl.pallas_call(
        _epi_body,
        grid=(N // BR,),
        in_specs=[_row_spec(), _row_spec(), _row_spec(), _row_spec(),
                  _row_spec(), _fix_spec((1, H)), _fix_spec((1, H)),
                  _fix_spec((1, H))],
        out_specs=_row_spec(),
        out_shape=jax.ShapeDtypeStruct((N, H), jnp.float32),
    )(h, xls, a0, a1, dinv, bl.reshape(1, H), g.reshape(1, H), be.reshape(1, H))



def _prep_edges(ei, total_chunks):
    e = ei.shape[1]
    pad = total_chunks * CHUNK - e
    row = jnp.concatenate(
        [ei[0].astype(jnp.int32), jnp.zeros((pad,), jnp.int32)]
    ).reshape(total_chunks, CHUNK)
    col = jnp.concatenate(
        [ei[1].astype(jnp.int32), jnp.full((pad,), N, jnp.int32)]
    ).reshape(total_chunks, CHUNK)
    return row, col


def _gnn(x_in, rows, cols, p, g, dinv, scatter_k):
    h = _mm_bias(x_in, p[g + "_in_W"], p[g + "_in_b"])
    for l in range(2):
        xls = _mm_scale(h, p[g + "_gcn_W"][l], dinv)
        acc = scatter_k(xls, rows, cols, jnp.zeros((ZROWS, H), jnp.float32))
        h = _epi(h, xls, acc[:N], acc[N_ACC:N_ACC + N], dinv,
                 p[g + "_gcn_b"][l], p[g + "_ln_g"], p[g + "_ln_b"])
    return _mm_bias(h, p[g + "_out_W"], p[g + "_out_b"])


def kernel(x_asset, x_index, edge_index_aa, edge_index_ai, params):
    del x_index
    p = params
    e = edge_index_aa.shape[1]
    total_chunks = -(-e // (CHUNK * NC * NS)) * (NC * NS)

    row_aa, col_aa = _prep_edges(edge_index_aa, total_chunks)
    row_ai, col_ai = _prep_edges(edge_index_ai, total_chunks)

    dw = 128
    degree_k = _make_degree(total_chunks, dw)
    scatter_k = _make_scatter(total_chunks, 112)

    deg = degree_k(
        jnp.concatenate([col_aa, col_ai], axis=0),
        jnp.ones((CHUNK, dw), jnp.float32),
        jnp.zeros((ZROWS, dw), jnp.float32),
    )
    dinv_all = lax.rsqrt(deg[:, :1] + 1.0)
    dinv_aa = jnp.broadcast_to(dinv_all[:N], (N, H))
    dinv_ai = jnp.broadcast_to(dinv_all[N_ACC:N_ACC + N], (N, H))

    h0 = _mm_bias(x_asset, p["proj_asset_W"], p["proj_asset_b"])
    h_a = _gnn(h0, row_aa, col_aa, p, "aa", dinv_aa, scatter_k)
    h_i = _gnn(h_a, row_ai, col_ai, p, "ai", dinv_ai, scatter_k)
    out_a = _mm_bias(h_a, p["out_asset_W"], p["out_asset_b"])
    out_i = _mm_bias(h_i, p["out_index_W"], p["out_index_b"])
    return (out_a, out_i)

# --- scband reference (transcript-rebuilt; emitter-appended) ---
"""Pipeline reference for scband-heterogeneous-gnn-23055384445847 (READ-ONLY COPY).

The authoritative reference and input builder live on the scoring server;
editing this copy changes nothing except your own understanding.
"""

import jax, jax.numpy as jnp
import numpy as np

N = 10000
D = 128
H = 128
O = 128
E = 320000
L = 2

def _lin_init(k, din, dout):
    return jax.random.normal(k, (din, dout), dtype=jnp.float32) * (1.0 / np.sqrt(din))

def setup_inputs(seed: int = 0):
    key = jax.random.key(seed)
    ks = jax.random.split(key, 24)
    x_asset = jax.random.normal(ks[0], (N, D), dtype=jnp.float32)
    x_index = jax.random.normal(ks[1], (N, D), dtype=jnp.float32)
    edge_index_aa = jax.random.randint(ks[2], (2, E), 0, N)
    edge_index_ai = jax.random.randint(ks[3], (2, E), 0, N)
    p = {}
    p['proj_asset_W'] = _lin_init(ks[4], D, H)
    p['proj_asset_b'] = jnp.zeros((H,), jnp.float32)
    p['proj_index_W'] = _lin_init(ks[5], D, H)
    p['proj_index_b'] = jnp.zeros((H,), jnp.float32)
    i = 6
    for g in ('aa', 'ai'):
        p[g + '_in_W'] = _lin_init(ks[i], H, H); i += 1
        p[g + '_in_b'] = jnp.zeros((H,), jnp.float32)
        p[g + '_gcn_W'] = jnp.stack([_lin_init(ks[i + j], H, H) for j in range(L)]); i += L
        p[g + '_gcn_b'] = jnp.zeros((L, H), jnp.float32)
        p[g + '_ln_g'] = jnp.ones((H,), jnp.float32)
        p[g + '_ln_b'] = jnp.zeros((H,), jnp.float32)
        p[g + '_out_W'] = _lin_init(ks[i], H, H); i += 1
        p[g + '_out_b'] = jnp.zeros((H,), jnp.float32)
    p['out_asset_W'] = _lin_init(ks[i], H, O); i += 1
    p['out_asset_b'] = jnp.zeros((O,), jnp.float32)
    p['out_index_W'] = _lin_init(ks[i], H, O); i += 1
    p['out_index_b'] = jnp.zeros((O,), jnp.float32)
    return {'x_asset': x_asset, 'x_index': x_index, 'edge_index_aa': edge_index_aa, 'edge_index_ai': edge_index_ai, 'params': p}

def _gcn(x, row, col, W, b):
    # GCNConv with add_self_loops (loops appended by caller) and symmetric normalization
    xl = x @ W
    deg = jnp.zeros((N,), jnp.float32).at[col].add(1.0)
    dinv = jnp.where(deg > 0, jax.lax.rsqrt(deg), 0.0)
    norm = dinv[row] * dinv[col]
    msg = xl[row] * norm[:, None]
    out = jnp.zeros((N, xl.shape[1]), jnp.float32).at[col].add(msg)
    return out + b

def _ln(x, g, b):
    m = jnp.mean(x, axis=-1, keepdims=True)
    v = jnp.var(x, axis=-1, keepdims=True)
    return (x - m) * jax.lax.rsqrt(v + 1e-5) * g + b

def _market_gnn(x, ei, p, g):
    # MarketGNN forward (eval mode: dropout = identity)
    sl = jnp.arange(N, dtype=ei.dtype)
    row = jnp.concatenate([ei[0], sl])
    col = jnp.concatenate([ei[1], sl])
    h = x @ p[g + '_in_W'] + p[g + '_in_b']
    for l in range(L):
        hn = _gcn(h, row, col, p[g + '_gcn_W'][l], p[g + '_gcn_b'][l])
        h = h + hn
        h = _ln(h, p[g + '_ln_g'], p[g + '_ln_b'])
        h = jax.nn.relu(h)
    return h @ p[g + '_out_W'] + p[g + '_out_b']

def reference(x_asset, x_index, edge_index_aa, edge_index_ai, params):
    h_a = x_asset @ params['proj_asset_W'] + params['proj_asset_b']
    h_i = x_index @ params['proj_index_W'] + params['proj_index_b']
    # edge type (asset, correlates, asset): updates asset states
    h_a = _market_gnn(h_a, edge_index_aa, params, 'aa')
    # edge type (asset, influences, index): reads asset states, overwrites index states
    h_i = _market_gnn(h_a, edge_index_ai, params, 'ai')
    out_a = h_a @ params['out_asset_W'] + params['out_asset_b']
    out_i = h_i @ params['out_index_W'] + params['out_index_b']
    return (out_a, out_i)

if __name__ == "__main__":
    import jax
    _d = setup_inputs()
    print(jax.jit(kernel)(*tuple(_d.values())))

</pallas_src>

<mosaic_0001>
#map = affine_map<(d0, d1) -> (0, 0)>
module attributes {stable_mosaic.version = 14 : i64} {
  func.func @degree_k(%arg0: i32, %arg1: i32, %arg2: memref<5056x128xi32, #tpu.memory_space<hbm>>, %arg3: memref<128x128xf32, #tpu.memory_space<hbm>>, %arg4: memref<640x128xf32, #tpu.memory_space<hbm>>, %arg5: memref<20480x128xf32, #tpu.memory_space<hbm>>, %arg6: memref<128xi32, #tpu.memory_space<vmem>>, %arg7: memref<128x128xf32, #tpu.memory_space<vmem>>, %arg8: memref<10240x128xf32, #tpu.memory_space<vmem_shared>>) attributes {dimension_semantics = [#tpu.dimension_semantics<core_parallel>, #tpu.dimension_semantics<subcore_parallel>], iteration_bounds = array<i64: 2, 16>, scalar_prefetch = 0 : i64, scratch_operands = 3 : i64, tpu.core_type = #tpu.core_type<sc_vector_subcore>, window_params = [{transform_indices = #map}, {transform_indices = #map}, {transform_indices = #map}, {transform_indices = #map}]} {
    %mul3A = arith.constant 640 : i32
    %mul3A_0 = arith.muli %arg1, %mul3A : i32
    "tpu.region"() ({
      %run_scoped3A = tpu.sem_alloc : memref<!tpu.dma_semaphore, #tpu.memory_space<semaphore_mem>>
      %dma_start3A = arith.constant 0 : i32
      %dma_start3A_18 = tpu.memref_slice %arg8[%mul3A_0, %dma_start3A] : memref<10240x128xf32, #tpu.memory_space<vmem_shared>> -> memref<640x128xf32, #tpu.memory_space<vmem_shared>>
      tpu.enqueue_dma source(%arg4 : memref<640x128xf32, #tpu.memory_space<hbm>>) target(%dma_start3A_18 : memref<640x128xf32, #tpu.memory_space<vmem_shared>>) target_semaphore(%run_scoped3A : memref<!tpu.dma_semaphore, #tpu.memory_space<semaphore_mem>>)
      %dma_wait3A = arith.constant 0 : i32
      %dma_wait3A_19 = tpu.memref_slice %arg8[%mul3A_0, %dma_wait3A] : memref<10240x128xf32, #tpu.memory_space<vmem_shared>> -> memref<640x128xf32, #tpu.memory_space<vmem_shared>>
      tpu.wait_dma2 semaphore(%run_scoped3A : memref<!tpu.dma_semaphore, #tpu.memory_space<semaphore_mem>>) src(%arg4 : memref<640x128xf32, #tpu.memory_space<hbm>>) dst(%dma_wait3A_19 : memref<640x128xf32, #tpu.memory_space<vmem_shared>>)
      tpu.yield
    }) : () -> ()
    "tpu.region"() ({
      %run_scoped3A = tpu.sem_alloc : memref<!tpu.dma_semaphore, #tpu.memory_space<semaphore_mem>>
      tpu.enqueue_dma source(%arg3 : memref<128x128xf32, #tpu.memory_space<hbm>>) target(%arg7 : memref<128x128xf32, #tpu.memory_space<vmem>>) target_semaphore(%run_scoped3A : memref<!tpu.dma_semaphore, #tpu.memory_space<semaphore_mem>>)
      tpu.wait_dma2 semaphore(%run_scoped3A : memref<!tpu.dma_semaphore, #tpu.memory_space<semaphore_mem>>) src(%arg3 : memref<128x128xf32, #tpu.memory_space<hbm>>) dst(%arg7 : memref<128x128xf32, #tpu.memory_space<vmem>>)
      tpu.yield
    }) : () -> ()
    %barrier3A = arith.constant 0 : index
    tpu.barrier barrier_id(%barrier3A)
    %mul3A_1 = arith.constant 2528 : i32
    %mul3A_2 = arith.muli %arg0, %mul3A_1 : i32
    %mul3A_3 = arith.constant 158 : i32
    %mul3A_4 = arith.muli %arg1, %mul3A_3 : i32
    %add3A = arith.addi %mul3A_2, %mul3A_4 : i32
    %scan3A = arith.constant 0 : i32
    %scan3A_5 = arith.constant 0 : i32
    %scan3A_6 = arith.constant 158 : i32
    %scan3A_7 = arith.addi %scan3A_5, %scan3A_6 : i32
    %scan3A_8 = arith.constant 1 : i32
    scf.for %scan3A_18 = %scan3A_5 to %scan3A_7 step %scan3A_8  : i32 {
      %add3A_19 = arith.addi %add3A, %scan3A_18 : i32
      "tpu.region"() ({
        %run_scoped3A = tpu.sem_alloc : memref<!tpu.dma_semaphore, #tpu.memory_space<semaphore_mem>>
        %dma_start3A = arith.constant 0 : i32
        %dma_start3A_20 = tpu.memref_slice %arg2[%add3A_19, %dma_start3A] : memref<5056x128xi32, #tpu.memory_space<hbm>> -> memref<1x128xi32, #tpu.memory_space<hbm>>
        %dma_start3A_21 = tpu.memref_squeeze %dma_start3A_20 : memref<1x128xi32, #tpu.memory_space<hbm>> -> memref<128xi32, #tpu.memory_space<hbm>>
        %dma_start3A_22 = arith.constant 0 : i32
        %dma_start3A_23 = tpu.memref_slice %arg2[%add3A_19, %dma_start3A_22] : memref<5056x128xi32, #tpu.memory_space<hbm>> -> memref<1x128xi32, #tpu.memory_space<hbm>>
        %dma_start3A_24 = tpu.memref_squeeze %dma_start3A_23 : memref<1x128xi32, #tpu.memory_space<hbm>> -> memref<128xi32, #tpu.memory_space<hbm>>
        tpu.enqueue_dma source(%dma_start3A_24 : memref<128xi32, #tpu.memory_space<hbm>>) target(%arg6 : memref<128xi32, #tpu.memory_space<vmem>>) target_semaphore(%run_scoped3A : memref<!tpu.dma_semaphore, #tpu.memory_space<semaphore_mem>>)
        %dma_wait3A = arith.constant 0 : i32
        %dma_wait3A_25 = tpu.memref_slice %arg2[%add3A_19, %dma_wait3A] : memref<5056x128xi32, #tpu.memory_space<hbm>> -> memref<1x128xi32, #tpu.memory_space<hbm>>
        %dma_wait3A_26 = tpu.memref_squeeze %dma_wait3A_25 : memref<1x128xi32, #tpu.memory_space<hbm>> -> memref<128xi32, #tpu.memory_space<hbm>>
        %dma_wait3A_27 = arith.constant 0 : i32
        %dma_wait3A_28 = tpu.memref_slice %arg2[%add3A_19, %dma_wait3A_27] : memref<5056x128xi32, #tpu.memory_space<hbm>> -> memref<1x128xi32, #tpu.memory_space<hbm>>
        %dma_wait3A_29 = tpu.memref_squeeze %dma_wait3A_28 : memref<1x128xi32, #tpu.memory_space<hbm>> -> memref<128xi32, #tpu.memory_space<hbm>>
        tpu.wait_dma2 semaphore(%run_scoped3A : memref<!tpu.dma_semaphore, #tpu.memory_space<semaphore_mem>>) src(%dma_wait3A_29 : memref<128xi32, #tpu.memory_space<hbm>>) dst(%arg6 : memref<128xi32, #tpu.memory_space<vmem>>)
        tpu.yield
      }) : () -> ()
      "tpu.region"() ({
        %run_scoped3A = tpu.sem_alloc : memref<!tpu.dma_semaphore, #tpu.memory_space<semaphore_mem>>
        %dma_start3A = arith.constant 0 : i32
        %dma_start3A_20 = arith.constant 0 : i32
        %dma_start3A_21 = tpu.memref_slice %arg8[%dma_start3A, %dma_start3A_20] : memref<10240x128xf32, #tpu.memory_space<vmem_shared>> -> memref<10240x128xf32, #tpu.memory_space<vmem_shared>>
        tpu.enqueue_indirect_dma source(%arg7 : memref<128x128xf32, #tpu.memory_space<vmem>>) target(%dma_start3A_21 : memref<10240x128xf32, #tpu.memory_space<vmem_shared>>) offsets(%arg6 : memref<128xi32, #tpu.memory_space<vmem>>) semaphore(%run_scoped3A : memref<!tpu.dma_semaphore, #tpu.memory_space<semaphore_mem>>) {add = true}
        %dma_wait3A = arith.constant 0 : i32
        %dma_wait3A_22 = arith.constant 0 : i32
        %dma_wait3A_23 = tpu.memref_slice %arg8[%dma_wait3A, %dma_wait3A_22] : memref<10240x128xf32, #tpu.memory_space<vmem_shared>> -> memref<10240x128xf32, #tpu.memory_space<vmem_shared>>
        tpu.wait_indirect_dma semaphore(%run_scoped3A : memref<!tpu.dma_semaphore, #tpu.memory_space<semaphore_mem>>) src(%arg7 : memref<128x128xf32, #tpu.memory_space<vmem>>) dst(%dma_wait3A_23 : memref<10240x128xf32, #tpu.memory_space<vmem_shared>>)
        tpu.yield
      }) : () -> ()
    }
    %scan3A_9 = arith.constant 158 : i32
    %barrier3A_10 = arith.constant 0 : index
    tpu.barrier barrier_id(%barrier3A_10)
    %mul3A_11 = arith.constant 10240 : i32
    %mul3A_12 = arith.muli %arg0, %mul3A_11 : i32
    %mul3A_13 = arith.constant 640 : i32
    %mul3A_14 = arith.muli %arg1, %mul3A_13 : i32
    %add3A_15 = arith.addi %mul3A_12, %mul3A_14 : i32
    %mul3A_16 = arith.constant 640 : i32
    %mul3A_17 = arith.muli %arg1, %mul3A_16 : i32
    "tpu.region"() ({
      %run_scoped3A = tpu.sem_alloc : memref<!tpu.dma_semaphore, #tpu.memory_space<semaphore_mem>>
      %dma_start3A = arith.constant 0 : i32
      %dma_start3A_18 = tpu.memref_slice %arg5[%add3A_15, %dma_start3A] : memref<20480x128xf32, #tpu.memory_space<hbm>> -> memref<640x128xf32, #tpu.memory_space<hbm>>
      %dma_start3A_19 = arith.constant 0 : i32
      %dma_start3A_20 = tpu.memref_slice %arg8[%mul3A_17, %dma_start3A_19] : memref<10240x128xf32, #tpu.memory_space<vmem_shared>> -> memref<640x128xf32, #tpu.memory_space<vmem_shared>>
      tpu.enqueue_dma source(%dma_start3A_20 : memref<640x128xf32, #tpu.memory_space<vmem_shared>>) target(%dma_start3A_18 : memref<640x128xf32, #tpu.memory_space<hbm>>) target_semaphore(%run_scoped3A : memref<!tpu.dma_semaphore, #tpu.memory_space<semaphore_mem>>)
      %dma_wait3A = arith.constant 0 : i32
      %dma_wait3A_21 = tpu.memref_slice %arg5[%add3A_15, %dma_wait3A] : memref<20480x128xf32, #tpu.memory_space<hbm>> -> memref<640x128xf32, #tpu.memory_space<hbm>>
      %dma_wait3A_22 = arith.constant 0 : i32
      %dma_wait3A_23 = tpu.memref_slice %arg8[%mul3A_17, %dma_wait3A_22] : memref<10240x128xf32, #tpu.memory_space<vmem_shared>> -> memref<640x128xf32, #tpu.memory_space<vmem_shared>>
      tpu.wait_dma2 semaphore(%run_scoped3A : memref<!tpu.dma_semaphore, #tpu.memory_space<semaphore_mem>>) src(%dma_wait3A_23 : memref<640x128xf32, #tpu.memory_space<vmem_shared>>) dst(%dma_wait3A_21 : memref<640x128xf32, #tpu.memory_space<hbm>>)
      tpu.yield
    }) : () -> ()
    return
  }
}

#map = affine_map<(d0, d1) -> (0, 0)>
module attributes {stable_mosaic.version = 14 : i64} {
  func.func @scatter_k(%arg0: i32, %arg1: i32, %arg2: memref<10000x128xf32, #tpu.memory_space<hbm>>, %arg3: memref<2528x128xi32, #tpu.memory_space<hbm>>, %arg4: memref<2528x128xi32, #tpu.memory_space<hbm>>, %arg5: memref<640x128xf32, #tpu.memory_space<hbm>>, %arg6: memref<20480x128xf32, #tpu.memory_space<hbm>>, %arg7: memref<128xi32, #tpu.memory_space<vmem>>, %arg8: memref<128xi32, #tpu.memory_space<vmem>>, %arg9: memref<128x128xf32, #tpu.memory_space<vmem>>, %arg10: memref<10240x128xf32, #tpu.memory_space<vmem_shared>>, %arg11: memref<!tpu.dma_semaphore, #tpu.memory_space<semaphore_mem>>) attributes {dimension_semantics = [#tpu.dimension_semantics<core_parallel>, #tpu.dimension_semantics<subcore_parallel>], iteration_bounds = array<i64: 2, 16>, scalar_prefetch = 0 : i64, scratch_operands = 5 : i64, tpu.core_type = #tpu.core_type<sc_vector_subcore>, window_params = [{transform_indices = #map}, {transform_indices = #map}, {transform_indices = #map}, {transform_indices = #map}, {transform_indices = #map}]} {
    %mul3A = arith.constant 640 : i32
    %mul3A_0 = arith.muli %arg1, %mul3A : i32
    "tpu.region"() ({
      %run_scoped3A = tpu.sem_alloc : memref<!tpu.dma_semaphore, #tpu.memory_space<semaphore_mem>>
      %dma_start3A = arith.constant 0 : i32
      %dma_start3A_29 = tpu.memref_slice %arg10[%mul3A_0, %dma_start3A] : memref<10240x128xf32, #tpu.memory_space<vmem_shared>> -> memref<640x128xf32, #tpu.memory_space<vmem_shared>>
      tpu.enqueue_dma source(%arg5 : memref<640x128xf32, #tpu.memory_space<hbm>>) target(%dma_start3A_29 : memref<640x128xf32, #tpu.memory_space<vmem_shared>>) target_semaphore(%run_scoped3A : memref<!tpu.dma_semaphore, #tpu.memory_space<semaphore_mem>>)
      %dma_wait3A = arith.constant 0 : i32
      %dma_wait3A_30 = tpu.memref_slice %arg10[%mul3A_0, %dma_wait3A] : memref<10240x128xf32, #tpu.memory_space<vmem_shared>> -> memref<640x128xf32, #tpu.memory_space<vmem_shared>>
      tpu.wait_dma2 semaphore(%run_scoped3A : memref<!tpu.dma_semaphore, #tpu.memory_space<semaphore_mem>>) src(%arg5 : memref<640x128xf32, #tpu.memory_space<hbm>>) dst(%dma_wait3A_30 : memref<640x128xf32, #tpu.memory_space<vmem_shared>>)
      tpu.yield
    }) : () -> ()
    %barrier3A = arith.constant 0 : index
    tpu.barrier barrier_id(%barrier3A)
    %eq3A = arith.constant 0 : i32
    %eq3A_1 = arith.cmpi eq, %arg0, %eq3A : i32
    %select_n3A = arith.constant 46 : i32
    %select_n3A_2 = arith.constant 112 : i32
    %select_n3A_3 = arith.select %eq3A_1, %select_n3A_2, %select_n3A : i32
    %eq3A_4 = arith.constant 0 : i32
    %eq3A_5 = arith.cmpi eq, %arg0, %eq3A_4 : i32
    %mul3A_6 = arith.constant 112 : i32
    %mul3A_7 = arith.muli %arg1, %mul3A_6 : i32
    %mul3A_8 = arith.constant 46 : i32
    %mul3A_9 = arith.muli %arg1, %mul3A_8 : i32
    %add3A = arith.constant 1792 : i32
    %add3A_10 = arith.addi %add3A, %mul3A_9 : i32
    %select_n3A_11 = arith.select %eq3A_5, %mul3A_7, %add3A_10 : i32
    %while3A = arith.constant 0 : i32
    %while3A_12 = arith.constant 0 : i32
    %while3A_13 = arith.subi %select_n3A_3, %while3A_12 : i32
    %while3A_14 = arith.addi %while3A_12, %while3A_13 : i32
    %while3A_15 = arith.constant 1 : i32
    %while3A_16 = arith.divsi %while3A_13, %while3A_15 : i32
    %while3A_17 = arith.muli %while3A_16, %while3A_15 : i32
    %while3A_18 = arith.addi %while3A_12, %while3A_17 : i32
    %while3A_19 = arith.constant 1 : i32
    scf.for %while3A_29 = %while3A_12 to %while3A_18 step %while3A_19  : i32 {
      %add3A_30 = arith.addi %select_n3A_11, %while3A_29 : i32
      "tpu.region"() ({
        %run_scoped3A = tpu.sem_alloc : memref<!tpu.dma_semaphore, #tpu.memory_space<semaphore_mem>>
        %dma_start3A_35 = arith.constant 0 : i32
        %dma_start3A_36 = tpu.memref_slice %arg3[%add3A_30, %dma_start3A_35] : memref<2528x128xi32, #tpu.memory_space<hbm>> -> memref<1x128xi32, #tpu.memory_space<hbm>>
        %dma_start3A_37 = tpu.memref_squeeze %dma_start3A_36 : memref<1x128xi32, #tpu.memory_space<hbm>> -> memref<128xi32, #tpu.memory_space<hbm>>
        %dma_start3A_38 = arith.constant 0 : i32
        %dma_start3A_39 = tpu.memref_slice %arg3[%add3A_30, %dma_start3A_38] : memref<2528x128xi32, #tpu.memory_space<hbm>> -> memref<1x128xi32, #tpu.memory_space<hbm>>
        %dma_start3A_40 = tpu.memref_squeeze %dma_start3A_39 : memref<1x128xi32, #tpu.memory_space<hbm>> -> memref<128xi32, #tpu.memory_space<hbm>>
        tpu.enqueue_dma source(%dma_start3A_40 : memref<128xi32, #tpu.memory_space<hbm>>) target(%arg7 : memref<128xi32, #tpu.memory_space<vmem>>) target_semaphore(%run_scoped3A : memref<!tpu.dma_semaphore, #tpu.memory_space<semaphore_mem>>)
        %dma_wait3A_41 = arith.constant 0 : i32
        %dma_wait3A_42 = tpu.memref_slice %arg3[%add3A_30, %dma_wait3A_41] : memref<2528x128xi32, #tpu.memory_space<hbm>> -> memref<1x128xi32, #tpu.memory_space<hbm>>
        %dma_wait3A_43 = tpu.memref_squeeze %dma_wait3A_42 : memref<1x128xi32, #tpu.memory_space<hbm>> -> memref<128xi32, #tpu.memory_space<hbm>>
        %dma_wait3A_44 = arith.constant 0 : i32
        %dma_wait3A_45 = tpu.memref_slice %arg3[%add3A_30, %dma_wait3A_44] : memref<2528x128xi32, #tpu.memory_space<hbm>> -> memref<1x128xi32, #tpu.memory_space<hbm>>
        %dma_wait3A_46 = tpu.memref_squeeze %dma_wait3A_45 : memref<1x128xi32, #tpu.memory_space<hbm>> -> memref<128xi32, #tpu.memory_space<hbm>>
        tpu.wait_dma2 semaphore(%run_scoped3A : memref<!tpu.dma_semaphore, #tpu.memory_space<semaphore_mem>>) src(%dma_wait3A_46 : memref<128xi32, #tpu.memory_space<hbm>>) dst(%arg7 : memref<128xi32, #tpu.memory_space<vmem>>)
        tpu.yield
      }) : () -> ()
      "tpu.region"() ({
        %run_scoped3A = tpu.sem_alloc : memref<!tpu.dma_semaphore, #tpu.memory_space<semaphore_mem>>
        %dma_start3A_35 = arith.constant 0 : i32
        %dma_start3A_36 = tpu.memref_slice %arg4[%add3A_30, %dma_start3A_35] : memref<2528x128xi32, #tpu.memory_space<hbm>> -> memref<1x128xi32, #tpu.memory_space<hbm>>
        %dma_start3A_37 = tpu.memref_squeeze %dma_start3A_36 : memref<1x128xi32, #tpu.memory_space<hbm>> -> memref<128xi32, #tpu.memory_space<hbm>>
        %dma_start3A_38 = arith.constant 0 : i32
        %dma_start3A_39 = tpu.memref_slice %arg4[%add3A_30, %dma_start3A_38] : memref<2528x128xi32, #tpu.memory_space<hbm>> -> memref<1x128xi32, #tpu.memory_space<hbm>>
        %dma_start3A_40 = tpu.memref_squeeze %dma_start3A_39 : memref<1x128xi32, #tpu.memory_space<hbm>> -> memref<128xi32, #tpu.memory_space<hbm>>
        tpu.enqueue_dma source(%dma_start3A_40 : memref<128xi32, #tpu.memory_space<hbm>>) target(%arg8 : memref<128xi32, #tpu.memory_space<vmem>>) target_semaphore(%run_scoped3A : memref<!tpu.dma_semaphore, #tpu.memory_space<semaphore_mem>>)
        %dma_wait3A_41 = arith.constant 0 : i32
        %dma_wait3A_42 = tpu.memref_slice %arg4[%add3A_30, %dma_wait3A_41] : memref<2528x128xi32, #tpu.memory_space<hbm>> -> memref<1x128xi32, #tpu.memory_space<hbm>>
        %dma_wait3A_43 = tpu.memref_squeeze %dma_wait3A_42 : memref<1x128xi32, #tpu.memory_space<hbm>> -> memref<128xi32, #tpu.memory_space<hbm>>
        %dma_wait3A_44 = arith.constant 0 : i32
        %dma_wait3A_45 = tpu.memref_slice %arg4[%add3A_30, %dma_wait3A_44] : memref<2528x128xi32, #tpu.memory_space<hbm>> -> memref<1x128xi32, #tpu.memory_space<hbm>>
        %dma_wait3A_46 = tpu.memref_squeeze %dma_wait3A_45 : memref<1x128xi32, #tpu.memory_space<hbm>> -> memref<128xi32, #tpu.memory_space<hbm>>
        tpu.wait_dma2 semaphore(%run_scoped3A : memref<!tpu.dma_semaphore, #tpu.memory_space<semaphore_mem>>) src(%dma_wait3A_46 : memref<128xi32, #tpu.memory_space<hbm>>) dst(%arg8 : memref<128xi32, #tpu.memory_space<vmem>>)
        tpu.yield
      }) : () -> ()
      %dma_start3A = arith.constant 0 : i32
      %dma_start3A_31 = arith.constant 0 : i32
      %dma_start3A_32 = tpu.memref_slice %arg2[%dma_start3A, %dma_start3A_31] : memref<10000x128xf32, #tpu.memory_space<hbm>> -> memref<10000x128xf32, #tpu.memory_space<hbm>>
      tpu.enqueue_indirect_dma source(%dma_start3A_32 : memref<10000x128xf32, #tpu.memory_space<hbm>>) target(%arg9 : memref<128x128xf32, #tpu.memory_space<vmem>>) offsets(%arg7 : memref<128xi32, #tpu.memory_space<vmem>>) semaphore(%arg11 : memref<!tpu.dma_semaphore, #tpu.memory_space<semaphore_mem>>)
      %dma_wait3A = arith.constant 0 : i32
      %dma_wait3A_33 = arith.constant 0 : i32
      %dma_wait3A_34 = tpu.memref_slice %arg2[%dma_wait3A, %dma_wait3A_33] : memref<10000x128xf32, #tpu.memory_space<hbm>> -> memref<10000x128xf32, #tpu.memory_space<hbm>>
      tpu.wait_indirect_dma semaphore(%arg11 : memref<!tpu.dma_semaphore, #tpu.memory_space<semaphore_mem>>) src(%dma_wait3A_34 : memref<10000x128xf32, #tpu.memory_space<hbm>>) dst(%arg9 : memref<128x128xf32, #tpu.memory_space<vmem>>)
      "tpu.region"() ({
        %run_scoped3A = tpu.sem_alloc : memref<!tpu.dma_semaphore, #tpu.memory_space<semaphore_mem>>
        %dma_start3A_35 = arith.constant 0 : i32
        %dma_start3A_36 = arith.constant 0 : i32
        %dma_start3A_37 = tpu.memref_slice %arg10[%dma_start3A_35, %dma_start3A_36] : memref<10240x128xf32, #tpu.memory_space<vmem_shared>> -> memref<10240x128xf32, #tpu.memory_space<vmem_shared>>
        tpu.enqueue_indirect_dma source(%arg9 : memref<128x128xf32, #tpu.memory_space<vmem>>) target(%dma_start3A_37 : memref<10240x128xf32, #tpu.memory_space<vmem_shared>>) offsets(%arg8 : memref<128xi32, #tpu.memory_space<vmem>>) semaphore(%run_scoped3A : memref<!tpu.dma_semaphore, #tpu.memory_space<semaphore_mem>>) {add = true}
        %dma_wait3A_38 = arith.constant 0 : i32
        %dma_wait3A_39 = arith.constant 0 : i32
        %dma_wait3A_40 = tpu.memref_slice %arg10[%dma_wait3A_38, %dma_wait3A_39] : memref<10240x128xf32, #tpu.memory_space<vmem_shared>> -> memref<10240x128xf32, #tpu.memory_space<vmem_shared>>
        tpu.wait_indirect_dma semaphore(%run_scoped3A : memref<!tpu.dma_semaphore, #tpu.memory_space<semaphore_mem>>) src(%arg9 : memref<128x128xf32, #tpu.memory_space<vmem>>) dst(%dma_wait3A_40 : memref<10240x128xf32, #tpu.memory_space<vmem_shared>>)
        tpu.yield
      }) : () -> ()
    }
    %while3A_20 = arith.constant 1 : i32
    scf.for %while3A_29 = %while3A_18 to %while3A_14 step %while3A_20  : i32 {
      %add3A_30 = arith.addi %select_n3A_11, %while3A_29 : i32
      "tpu.region"() ({
        %run_scoped3A = tpu.sem_alloc : memref<!tpu.dma_semaphore, #tpu.memory_space<semaphore_mem>>
        %dma_start3A_35 = arith.constant 0 : i32
        %dma_start3A_36 = tpu.memref_slice %arg3[%add3A_30, %dma_start3A_35] : memref<2528x128xi32, #tpu.memory_space<hbm>> -> memref<1x128xi32, #tpu.memory_space<hbm>>
        %dma_start3A_37 = tpu.memref_squeeze %dma_start3A_36 : memref<1x128xi32, #tpu.memory_space<hbm>> -> memref<128xi32, #tpu.memory_space<hbm>>
        %dma_start3A_38 = arith.constant 0 : i32
        %dma_start3A_39 = tpu.memref_slice %arg3[%add3A_30, %dma_start3A_38] : memref<2528x128xi32, #tpu.memory_space<hbm>> -> memref<1x128xi32, #tpu.memory_space<hbm>>
        %dma_start3A_40 = tpu.memref_squeeze %dma_start3A_39 : memref<1x128xi32, #tpu.memory_space<hbm>> -> memref<128xi32, #tpu.memory_space<hbm>>
        tpu.enqueue_dma source(%dma_start3A_40 : memref<128xi32, #tpu.memory_space<hbm>>) target(%arg7 : memref<128xi32, #tpu.memory_space<vmem>>) target_semaphore(%run_scoped3A : memref<!tpu.dma_semaphore, #tpu.memory_space<semaphore_mem>>)
        %dma_wait3A_41 = arith.constant 0 : i32
        %dma_wait3A_42 = tpu.memref_slice %arg3[%add3A_30, %dma_wait3A_41] : memref<2528x128xi32, #tpu.memory_space<hbm>> -> memref<1x128xi32, #tpu.memory_space<hbm>>
        %dma_wait3A_43 = tpu.memref_squeeze %dma_wait3A_42 : memref<1x128xi32, #tpu.memory_space<hbm>> -> memref<128xi32, #tpu.memory_space<hbm>>
        %dma_wait3A_44 = arith.constant 0 : i32
        %dma_wait3A_45 = tpu.memref_slice %arg3[%add3A_30, %dma_wait3A_44] : memref<2528x128xi32, #tpu.memory_space<hbm>> -> memref<1x128xi32, #tpu.memory_space<hbm>>
        %dma_wait3A_46 = tpu.memref_squeeze %dma_wait3A_45 : memref<1x128xi32, #tpu.memory_space<hbm>> -> memref<128xi32, #tpu.memory_space<hbm>>
        tpu.wait_dma2 semaphore(%run_scoped3A : memref<!tpu.dma_semaphore, #tpu.memory_space<semaphore_mem>>) src(%dma_wait3A_46 : memref<128xi32, #tpu.memory_space<hbm>>) dst(%arg7 : memref<128xi32, #tpu.memory_space<vmem>>)
        tpu.yield
      }) : () -> ()
      "tpu.region"() ({
        %run_scoped3A = tpu.sem_alloc : memref<!tpu.dma_semaphore, #tpu.memory_space<semaphore_mem>>
        %dma_start3A_35 = arith.constant 0 : i32
        %dma_start3A_36 = tpu.memref_slice %arg4[%add3A_30, %dma_start3A_35] : memref<2528x128xi32, #tpu.memory_space<hbm>> -> memref<1x128xi32, #tpu.memory_space<hbm>>
        %dma_start3A_37 = tpu.memref_squeeze %dma_start3A_36 : memref<1x128xi32, #tpu.memory_space<hbm>> -> memref<128xi32, #tpu.memory_space<hbm>>
        %dma_start3A_38 = arith.constant 0 : i32
        %dma_start3A_39 = tpu.memref_slice %arg4[%add3A_30, %dma_start3A_38] : memref<2528x128xi32, #tpu.memory_space<hbm>> -> memref<1x128xi32, #tpu.memory_space<hbm>>
        %dma_start3A_40 = tpu.memref_squeeze %dma_start3A_39 : memref<1x128xi32, #tpu.memory_space<hbm>> -> memref<128xi32, #tpu.memory_space<hbm>>
        tpu.enqueue_dma source(%dma_start3A_40 : memref<128xi32, #tpu.memory_space<hbm>>) target(%arg8 : memref<128xi32, #tpu.memory_space<vmem>>) target_semaphore(%run_scoped3A : memref<!tpu.dma_semaphore, #tpu.memory_space<semaphore_mem>>)
        %dma_wait3A_41 = arith.constant 0 : i32
        %dma_wait3A_42 = tpu.memref_slice %arg4[%add3A_30, %dma_wait3A_41] : memref<2528x128xi32, #tpu.memory_space<hbm>> -> memref<1x128xi32, #tpu.memory_space<hbm>>
        %dma_wait3A_43 = tpu.memref_squeeze %dma_wait3A_42 : memref<1x128xi32, #tpu.memory_space<hbm>> -> memref<128xi32, #tpu.memory_space<hbm>>
        %dma_wait3A_44 = arith.constant 0 : i32
        %dma_wait3A_45 = tpu.memref_slice %arg4[%add3A_30, %dma_wait3A_44] : memref<2528x128xi32, #tpu.memory_space<hbm>> -> memref<1x128xi32, #tpu.memory_space<hbm>>
        %dma_wait3A_46 = tpu.memref_squeeze %dma_wait3A_45 : memref<1x128xi32, #tpu.memory_space<hbm>> -> memref<128xi32, #tpu.memory_space<hbm>>
        tpu.wait_dma2 semaphore(%run_scoped3A : memref<!tpu.dma_semaphore, #tpu.memory_space<semaphore_mem>>) src(%dma_wait3A_46 : memref<128xi32, #tpu.memory_space<hbm>>) dst(%arg8 : memref<128xi32, #tpu.memory_space<vmem>>)
        tpu.yield
      }) : () -> ()
      %dma_start3A = arith.constant 0 : i32
      %dma_start3A_31 = arith.constant 0 : i32
      %dma_start3A_32 = tpu.memref_slice %arg2[%dma_start3A, %dma_start3A_31] : memref<10000x128xf32, #tpu.memory_space<hbm>> -> memref<10000x128xf32, #tpu.memory_space<hbm>>
      tpu.enqueue_indirect_dma source(%dma_start3A_32 : memref<10000x128xf32, #tpu.memory_space<hbm>>) target(%arg9 : memref<128x128xf32, #tpu.memory_space<vmem>>) offsets(%arg7 : memref<128xi32, #tpu.memory_space<vmem>>) semaphore(%arg11 : memref<!tpu.dma_semaphore, #tpu.memory_space<semaphore_mem>>)
      %dma_wait3A = arith.constant 0 : i32
      %dma_wait3A_33 = arith.constant 0 : i32
      %dma_wait3A_34 = tpu.memref_slice %arg2[%dma_wait3A, %dma_wait3A_33] : memref<10000x128xf32, #tpu.memory_space<hbm>> -> memref<10000x128xf32, #tpu.memory_space<hbm>>
      tpu.wait_indirect_dma semaphore(%arg11 : memref<!tpu.dma_semaphore, #tpu.memory_space<semaphore_mem>>) src(%dma_wait3A_34 : memref<10000x128xf32, #tpu.memory_space<hbm>>) dst(%arg9 : memref<128x128xf32, #tpu.memory_space<vmem>>)
      "tpu.region"() ({
        %run_scoped3A = tpu.sem_alloc : memref<!tpu.dma_semaphore, #tpu.memory_space<semaphore_mem>>
        %dma_start3A_35 = arith.constant 0 : i32
        %dma_start3A_36 = arith.constant 0 : i32
        %dma_start3A_37 = tpu.memref_slice %arg10[%dma_start3A_35, %dma_start3A_36] : memref<10240x128xf32, #tpu.memory_space<vmem_shared>> -> memref<10240x128xf32, #tpu.memory_space<vmem_shared>>
        tpu.enqueue_indirect_dma source(%arg9 : memref<128x128xf32, #tpu.memory_space<vmem>>) target(%dma_start3A_37 : memref<10240x128xf32, #tpu.memory_space<vmem_shared>>) offsets(%arg8 : memref<128xi32, #tpu.memory_space<vmem>>) semaphore(%run_scoped3A : memref<!tpu.dma_semaphore, #tpu.memory_space<semaphore_mem>>) {add = true}
        %dma_wait3A_38 = arith.constant 0 : i32
        %dma_wait3A_39 = arith.constant 0 : i32
        %dma_wait3A_40 = tpu.memref_slice %arg10[%dma_wait3A_38, %dma_wait3A_39] : memref<10240x128xf32, #tpu.memory_space<vmem_shared>> -> memref<10240x128xf32, #tpu.memory_space<vmem_shared>>
        tpu.wait_indirect_dma semaphore(%run_scoped3A : memref<!tpu.dma_semaphore, #tpu.memory_space<semaphore_mem>>) src(%arg9 : memref<128x128xf32, #tpu.memory_space<vmem>>) dst(%dma_wait3A_40 : memref<10240x128xf32, #tpu.memory_space<vmem_shared>>)
        tpu.yield
      }) : () -> ()
    }
    %barrier3A_21 = arith.constant 0 : index
    tpu.barrier barrier_id(%barrier3A_21)
    %mul3A_22 = arith.constant 10240 : i32
    %mul3A_23 = arith.muli %arg0, %mul3A_22 : i32
    %mul3A_24 = arith.constant 640 : i32
    %mul3A_25 = arith.muli %arg1, %mul3A_24 : i32
    %add3A_26 = arith.addi %mul3A_23, %mul3A_25 : i32
    %mul3A_27 = arith.constant 640 : i32
    %mul3A_28 = arith.muli %arg1, %mul3A_27 : i32
    "tpu.region"() ({
      %run_scoped3A = tpu.sem_alloc : memref<!tpu.dma_semaphore, #tpu.memory_space<semaphore_mem>>
      %dma_start3A = arith.constant 0 : i32
      %dma_start3A_29 = tpu.memref_slice %arg6[%add3A_26, %dma_start3A] : memref<20480x128xf32, #tpu.memory_space<hbm>> -> memref<640x128xf32, #tpu.memory_space<hbm>>
      %dma_start3A_30 = arith.constant 0 : i32
      %dma_start3A_31 = tpu.memref_slice %arg10[%mul3A_28, %dma_start3A_30] : memref<10240x128xf32, #tpu.memory_space<vmem_shared>> -> memref<640x128xf32, #tpu.memory_space<vmem_shared>>
      tpu.enqueue_dma source(%dma_start3A_31 : memref<640x128xf32, #tpu.memory_space<vmem_shared>>) target(%dma_start3A_29 : memref<640x128xf32, #tpu.memory_space<hbm>>) target_semaphore(%run_scoped3A : memref<!tpu.dma_semaphore, #tpu.memory_space<semaphore_mem>>)
      %dma_wait3A = arith.constant 0 : i32
      %dma_wait3A_32 = tpu.memref_slice %arg6[%add3A_26, %dma_wait3A] : memref<20480x128xf32, #tpu.memory_space<hbm>> -> memref<640x128xf32, #tpu.memory_space<hbm>>
      %dma_wait3A_33 = arith.constant 0 : i32
      %dma_wait3A_34 = tpu.memref_slice %arg10[%mul3A_28, %dma_wait3A_33] : memref<10240x128xf32, #tpu.memory_space<vmem_shared>> -> memref<640x128xf32, #tpu.memory_space<vmem_shared>>
      tpu.wait_dma2 semaphore(%run_scoped3A : memref<!tpu.dma_semaphore, #tpu.memory_space<semaphore_mem>>) src(%dma_wait3A_34 : memref<640x128xf32, #tpu.memory_space<vmem_shared>>) dst(%dma_wait3A_32 : memref<640x128xf32, #tpu.memory_space<hbm>>)
      tpu.yield
    }) : () -> ()
    return
  }
}

#map = affine_map<(d0, d1) -> (0, 0)>
module attributes {stable_mosaic.version = 14 : i64} {
  func.func @scatter_k(%arg0: i32, %arg1: i32, %arg2: memref<10000x128xf32, #tpu.memory_space<hbm>>, %arg3: memref<2528x128xi32, #tpu.memory_space<hbm>>, %arg4: memref<2528x128xi32, #tpu.memory_space<hbm>>, %arg5: memref<640x128xf32, #tpu.memory_space<hbm>>, %arg6: memref<20480x128xf32, #tpu.memory_space<hbm>>, %arg7: memref<128xi32, #tpu.memory_space<vmem>>, %arg8: memref<128xi32, #tpu.memory_space<vmem>>, %arg9: memref<128x128xf32, #tpu.memory_space<vmem>>, %arg10: memref<10240x128xf32, #tpu.memory_space<vmem_shared>>, %arg11: memref<!tpu.dma_semaphore, #tpu.memory_space<semaphore_mem>>) attributes {dimension_semantics = [#tpu.dimension_semantics<core_parallel>, #tpu.dimension_semantics<subcore_parallel>], iteration_bounds = array<i64: 2, 16>, scalar_prefetch = 0 : i64, scratch_operands = 5 : i64, tpu.core_type = #tpu.core_type<sc_vector_subcore>, window_params = [{transform_indices = #map}, {transform_indices = #map}, {transform_indices = #map}, {transform_indices = #map}, {transform_indices = #map}]} {
    %mul3A = arith.constant 640 : i32
    %mul3A_0 = arith.muli %arg1, %mul3A : i32
    "tpu.region"() ({
      %run_scoped3A = tpu.sem_alloc : memref<!tpu.dma_semaphore, #tpu.memory_space<semaphore_mem>>
      %dma_start3A = arith.constant 0 : i32
      %dma_start3A_29 = tpu.memref_slice %arg10[%mul3A_0, %dma_start3A] : memref<10240x128xf32, #tpu.memory_space<vmem_shared>> -> memref<640x128xf32, #tpu.memory_space<vmem_shared>>
      tpu.enqueue_dma source(%arg5 : memref<640x128xf32, #tpu.memory_space<hbm>>) target(%dma_start3A_29 : memref<640x128xf32, #tpu.memory_space<vmem_shared>>) target_semaphore(%run_scoped3A : memref<!tpu.dma_semaphore, #tpu.memory_space<semaphore_mem>>)
      %dma_wait3A = arith.constant 0 : i32
      %dma_wait3A_30 = tpu.memref_slice %arg10[%mul3A_0, %dma_wait3A] : memref<10240x128xf32, #tpu.memory_space<vmem_shared>> -> memref<640x128xf32, #tpu.memory_space<vmem_shared>>
      tpu.wait_dma2 semaphore(%run_scoped3A : memref<!tpu.dma_semaphore, #tpu.memory_space<semaphore_mem>>) src(%arg5 : memref<640x128xf32, #tpu.memory_space<hbm>>) dst(%dma_wait3A_30 : memref<640x128xf32, #tpu.memory_space<vmem_shared>>)
      tpu.yield
    }) : () -> ()
    %barrier3A = arith.constant 0 : index
    tpu.barrier barrier_id(%barrier3A)
    %eq3A = arith.constant 0 : i32
    %eq3A_1 = arith.cmpi eq, %arg0, %eq3A : i32
    %select_n3A = arith.constant 46 : i32
    %select_n3A_2 = arith.constant 112 : i32
    %select_n3A_3 = arith.select %eq3A_1, %select_n3A_2, %select_n3A : i32
    %eq3A_4 = arith.constant 0 : i32
    %eq3A_5 = arith.cmpi eq, %arg0, %eq3A_4 : i32
    %mul3A_6 = arith.constant 112 : i32
    %mul3A_7 = arith.muli %arg1, %mul3A_6 : i32
    %mul3A_8 = arith.constant 46 : i32
    %mul3A_9 = arith.muli %arg1, %mul3A_8 : i32
    %add3A = arith.constant 1792 : i32
    %add3A_10 = arith.addi %add3A, %mul3A_9 : i32
    %select_n3A_11 = arith.select %eq3A_5, %mul3A_7, %add3A_10 : i32
    %while3A = arith.constant 0 : i32
    %while3A_12 = arith.constant 0 : i32
    %while3A_13 = arith.subi %select_n3A_3, %while3A_12 : i32
    %while3A_14 = arith.addi %while3A_12, %while3A_13 : i32
    %while3A_15 = arith.constant 1 : i32
    %while3A_16 = arith.divsi %while3A_13, %while3A_15 : i32
    %while3A_17 = arith.muli %while3A_16, %while3A_15 : i32
    %while3A_18 = arith.addi %while3A_12, %while3A_17 : i32
    %while3A_19 = arith.constant 1 : i32
    scf.for %while3A_29 = %while3A_12 to %while3A_18 step %while3A_19  : i32 {
      %add3A_30 = arith.addi %select_n3A_11, %while3A_29 : i32
      "tpu.region"() ({
        %run_scoped3A = tpu.sem_alloc : memref<!tpu.dma_semaphore, #tpu.memory_space<semaphore_mem>>
        %dma_start3A_35 = arith.constant 0 : i32
        %dma_start3A_36 = tpu.memref_slice %arg3[%add3A_30, %dma_start3A_35] : memref<2528x128xi32, #tpu.memory_space<hbm>> -> memref<1x128xi32, #tpu.memory_space<hbm>>
        %dma_start3A_37 = tpu.memref_squeeze %dma_start3A_36 : memref<1x128xi32, #tpu.memory_space<hbm>> -> memref<128xi32, #tpu.memory_space<hbm>>
        %dma_start3A_38 = arith.constant 0 : i32
        %dma_start3A_39 = tpu.memref_slice %arg3[%add3A_30, %dma_start3A_38] : memref<2528x128xi32, #tpu.memory_space<hbm>> -> memref<1x128xi32, #tpu.memory_space<hbm>>
        %dma_start3A_40 = tpu.memref_squeeze %dma_start3A_39 : memref<1x128xi32, #tpu.memory_space<hbm>> -> memref<128xi32, #tpu.memory_space<hbm>>
        tpu.enqueue_dma source(%dma_start3A_40 : memref<128xi32, #tpu.memory_space<hbm>>) target(%arg7 : memref<128xi32, #tpu.memory_space<vmem>>) target_semaphore(%run_scoped3A : memref<!tpu.dma_semaphore, #tpu.memory_space<semaphore_mem>>)
        %dma_wait3A_41 = arith.constant 0 : i32
        %dma_wait3A_42 = tpu.memref_slice %arg3[%add3A_30, %dma_wait3A_41] : memref<2528x128xi32, #tpu.memory_space<hbm>> -> memref<1x128xi32, #tpu.memory_space<hbm>>
        %dma_wait3A_43 = tpu.memref_squeeze %dma_wait3A_42 : memref<1x128xi32, #tpu.memory_space<hbm>> -> memref<128xi32, #tpu.memory_space<hbm>>
        %dma_wait3A_44 = arith.constant 0 : i32
        %dma_wait3A_45 = tpu.memref_slice %arg3[%add3A_30, %dma_wait3A_44] : memref<2528x128xi32, #tpu.memory_space<hbm>> -> memref<1x128xi32, #tpu.memory_space<hbm>>
        %dma_wait3A_46 = tpu.memref_squeeze %dma_wait3A_45 : memref<1x128xi32, #tpu.memory_space<hbm>> -> memref<128xi32, #tpu.memory_space<hbm>>
        tpu.wait_dma2 semaphore(%run_scoped3A : memref<!tpu.dma_semaphore, #tpu.memory_space<semaphore_mem>>) src(%dma_wait3A_46 : memref<128xi32, #tpu.memory_space<hbm>>) dst(%arg7 : memref<128xi32, #tpu.memory_space<vmem>>)
        tpu.yield
      }) : () -> ()
      "tpu.region"() ({
        %run_scoped3A = tpu.sem_alloc : memref<!tpu.dma_semaphore, #tpu.memory_space<semaphore_mem>>
        %dma_start3A_35 = arith.constant 0 : i32
        %dma_start3A_36 = tpu.memref_slice %arg4[%add3A_30, %dma_start3A_35] : memref<2528x128xi32, #tpu.memory_space<hbm>> -> memref<1x128xi32, #tpu.memory_space<hbm>>
        %dma_start3A_37 = tpu.memref_squeeze %dma_start3A_36 : memref<1x128xi32, #tpu.memory_space<hbm>> -> memref<128xi32, #tpu.memory_space<hbm>>
        %dma_start3A_38 = arith.constant 0 : i32
        %dma_start3A_39 = tpu.memref_slice %arg4[%add3A_30, %dma_start3A_38] : memref<2528x128xi32, #tpu.memory_space<hbm>> -> memref<1x128xi32, #tpu.memory_space<hbm>>
        %dma_start3A_40 = tpu.memref_squeeze %dma_start3A_39 : memref<1x128xi32, #tpu.memory_space<hbm>> -> memref<128xi32, #tpu.memory_space<hbm>>
        tpu.enqueue_dma source(%dma_start3A_40 : memref<128xi32, #tpu.memory_space<hbm>>) target(%arg8 : memref<128xi32, #tpu.memory_space<vmem>>) target_semaphore(%run_scoped3A : memref<!tpu.dma_semaphore, #tpu.memory_space<semaphore_mem>>)
        %dma_wait3A_41 = arith.constant 0 : i32
        %dma_wait3A_42 = tpu.memref_slice %arg4[%add3A_30, %dma_wait3A_41] : memref<2528x128xi32, #tpu.memory_space<hbm>> -> memref<1x128xi32, #tpu.memory_space<hbm>>
        %dma_wait3A_43 = tpu.memref_squeeze %dma_wait3A_42 : memref<1x128xi32, #tpu.memory_space<hbm>> -> memref<128xi32, #tpu.memory_space<hbm>>
        %dma_wait3A_44 = arith.constant 0 : i32
        %dma_wait3A_45 = tpu.memref_slice %arg4[%add3A_30, %dma_wait3A_44] : memref<2528x128xi32, #tpu.memory_space<hbm>> -> memref<1x128xi32, #tpu.memory_space<hbm>>
        %dma_wait3A_46 = tpu.memref_squeeze %dma_wait3A_45 : memref<1x128xi32, #tpu.memory_space<hbm>> -> memref<128xi32, #tpu.memory_space<hbm>>
        tpu.wait_dma2 semaphore(%run_scoped3A : memref<!tpu.dma_semaphore, #tpu.memory_space<semaphore_mem>>) src(%dma_wait3A_46 : memref<128xi32, #tpu.memory_space<hbm>>) dst(%arg8 : memref<128xi32, #tpu.memory_space<vmem>>)
        tpu.yield
      }) : () -> ()
      %dma_start3A = arith.constant 0 : i32
      %dma_start3A_31 = arith.constant 0 : i32
      %dma_start3A_32 = tpu.memref_slice %arg2[%dma_start3A, %dma_start3A_31] : memref<10000x128xf32, #tpu.memory_space<hbm>> -> memref<10000x128xf32, #tpu.memory_space<hbm>>
      tpu.enqueue_indirect_dma source(%dma_start3A_32 : memref<10000x128xf32, #tpu.memory_space<hbm>>) target(%arg9 : memref<128x128xf32, #tpu.memory_space<vmem>>) offsets(%arg7 : memref<128xi32, #tpu.memory_space<vmem>>) semaphore(%arg11 : memref<!tpu.dma_semaphore, #tpu.memory_space<semaphore_mem>>)
      %dma_wait3A = arith.constant 0 : i32
      %dma_wait3A_33 = arith.constant 0 : i32
      %dma_wait3A_34 = tpu.memref_slice %arg2[%dma_wait3A, %dma_wait3A_33] : memref<10000x128xf32, #tpu.memory_space<hbm>> -> memref<10000x128xf32, #tpu.memory_space<hbm>>
      tpu.wait_indirect_dma semaphore(%arg11 : memref<!tpu.dma_semaphore, #tpu.memory_space<semaphore_mem>>) src(%dma_wait3A_34 : memref<10000x128xf32, #tpu.memory_space<hbm>>) dst(%arg9 : memref<128x128xf32, #tpu.memory_space<vmem>>)
      "tpu.region"() ({
        %run_scoped3A = tpu.sem_alloc : memref<!tpu.dma_semaphore, #tpu.memory_space<semaphore_mem>>
        %dma_start3A_35 = arith.constant 0 : i32
        %dma_start3A_36 = arith.constant 0 : i32
        %dma_start3A_37 = tpu.memref_slice %arg10[%dma_start3A_35, %dma_start3A_36] : memref<10240x128xf32, #tpu.memory_space<vmem_shared>> -> memref<10240x128xf32, #tpu.memory_space<vmem_shared>>
        tpu.enqueue_indirect_dma source(%arg9 : memref<128x128xf32, #tpu.memory_space<vmem>>) target(%dma_start3A_37 : memref<10240x128xf32, #tpu.memory_space<vmem_shared>>) offsets(%arg8 : memref<128xi32, #tpu.memory_space<vmem>>) semaphore(%run_scoped3A : memref<!tpu.dma_semaphore, #tpu.memory_space<semaphore_mem>>) {add = true}
        %dma_wait3A_38 = arith.constant 0 : i32
        %dma_wait3A_39 = arith.constant 0 : i32
        %dma_wait3A_40 = tpu.memref_slice %arg10[%dma_wait3A_38, %dma_wait3A_39] : memref<10240x128xf32, #tpu.memory_space<vmem_shared>> -> memref<10240x128xf32, #tpu.memory_space<vmem_shared>>
        tpu.wait_indirect_dma semaphore(%run_scoped3A : memref<!tpu.dma_semaphore, #tpu.memory_space<semaphore_mem>>) src(%arg9 : memref<128x128xf32, #tpu.memory_space<vmem>>) dst(%dma_wait3A_40 : memref<10240x128xf32, #tpu.memory_space<vmem_shared>>)
        tpu.yield
      }) : () -> ()
    }
    %while3A_20 = arith.constant 1 : i32
    scf.for %while3A_29 = %while3A_18 to %while3A_14 step %while3A_20  : i32 {
      %add3A_30 = arith.addi %select_n3A_11, %while3A_29 : i32
      "tpu.region"() ({
        %run_scoped3A = tpu.sem_alloc : memref<!tpu.dma_semaphore, #tpu.memory_space<semaphore_mem>>
        %dma_start3A_35 = arith.constant 0 : i32
        %dma_start3A_36 = tpu.memref_slice %arg3[%add3A_30, %dma_start3A_35] : memref<2528x128xi32, #tpu.memory_space<hbm>> -> memref<1x128xi32, #tpu.memory_space<hbm>>
        %dma_start3A_37 = tpu.memref_squeeze %dma_start3A_36 : memref<1x128xi32, #tpu.memory_space<hbm>> -> memref<128xi32, #tpu.memory_space<hbm>>
        %dma_start3A_38 = arith.constant 0 : i32
        %dma_start3A_39 = tpu.memref_slice %arg3[%add3A_30, %dma_start3A_38] : memref<2528x128xi32, #tpu.memory_space<hbm>> -> memref<1x128xi32, #tpu.memory_space<hbm>>
        %dma_start3A_40 = tpu.memref_squeeze %dma_start3A_39 : memref<1x128xi32, #tpu.memory_space<hbm>> -> memref<128xi32, #tpu.memory_space<hbm>>
        tpu.enqueue_dma source(%dma_start3A_40 : memref<128xi32, #tpu.memory_space<hbm>>) target(%arg7 : memref<128xi32, #tpu.memory_space<vmem>>) target_semaphore(%run_scoped3A : memref<!tpu.dma_semaphore, #tpu.memory_space<semaphore_mem>>)
        %dma_wait3A_41 = arith.constant 0 : i32
        %dma_wait3A_42 = tpu.memref_slice %arg3[%add3A_30, %dma_wait3A_41] : memref<2528x128xi32, #tpu.memory_space<hbm>> -> memref<1x128xi32, #tpu.memory_space<hbm>>
        %dma_wait3A_43 = tpu.memref_squeeze %dma_wait3A_42 : memref<1x128xi32, #tpu.memory_space<hbm>> -> memref<128xi32, #tpu.memory_space<hbm>>
        %dma_wait3A_44 = arith.constant 0 : i32
        %dma_wait3A_45 = tpu.memref_slice %arg3[%add3A_30, %dma_wait3A_44] : memref<2528x128xi32, #tpu.memory_space<hbm>> -> memref<1x128xi32, #tpu.memory_space<hbm>>
        %dma_wait3A_46 = tpu.memref_squeeze %dma_wait3A_45 : memref<1x128xi32, #tpu.memory_space<hbm>> -> memref<128xi32, #tpu.memory_space<hbm>>
        tpu.wait_dma2 semaphore(%run_scoped3A : memref<!tpu.dma_semaphore, #tpu.memory_space<semaphore_mem>>) src(%dma_wait3A_46 : memref<128xi32, #tpu.memory_space<hbm>>) dst(%arg7 : memref<128xi32, #tpu.memory_space<vmem>>)
        tpu.yield
      }) : () -> ()
      "tpu.region"() ({
        %run_scoped3A = tpu.sem_alloc : memref<!tpu.dma_semaphore, #tpu.memory_space<semaphore_mem>>
        %dma_start3A_35 = arith.constant 0 : i32
        %dma_start3A_36 = tpu.memref_slice %arg4[%add3A_30, %dma_start3A_35] : memref<2528x128xi32, #tpu.memory_space<hbm>> -> memref<1x128xi32, #tpu.memory_space<hbm>>
        %dma_start3A_37 = tpu.memref_squeeze %dma_start3A_36 : memref<1x128xi32, #tpu.memory_space<hbm>> -> memref<128xi32, #tpu.memory_space<hbm>>
        %dma_start3A_38 = arith.constant 0 : i32
        %dma_start3A_39 = tpu.memref_slice %arg4[%add3A_30, %dma_start3A_38] : memref<2528x128xi32, #tpu.memory_space<hbm>> -> memref<1x128xi32, #tpu.memory_space<hbm>>
        %dma_start3A_40 = tpu.memref_squeeze %dma_start3A_39 : memref<1x128xi32, #tpu.memory_space<hbm>> -> memref<128xi32, #tpu.memory_space<hbm>>
        tpu.enqueue_dma source(%dma_start3A_40 : memref<128xi32, #tpu.memory_space<hbm>>) target(%arg8 : memref<128xi32, #tpu.memory_space<vmem>>) target_semaphore(%run_scoped3A : memref<!tpu.dma_semaphore, #tpu.memory_space<semaphore_mem>>)
        %dma_wait3A_41 = arith.constant 0 : i32
        %dma_wait3A_42 = tpu.memref_slice %arg4[%add3A_30, %dma_wait3A_41] : memref<2528x128xi32, #tpu.memory_space<hbm>> -> memref<1x128xi32, #tpu.memory_space<hbm>>
        %dma_wait3A_43 = tpu.memref_squeeze %dma_wait3A_42 : memref<1x128xi32, #tpu.memory_space<hbm>> -> memref<128xi32, #tpu.memory_space<hbm>>
        %dma_wait3A_44 = arith.constant 0 : i32
        %dma_wait3A_45 = tpu.memref_slice %arg4[%add3A_30, %dma_wait3A_44] : memref<2528x128xi32, #tpu.memory_space<hbm>> -> memref<1x128xi32, #tpu.memory_space<hbm>>
        %dma_wait3A_46 = tpu.memref_squeeze %dma_wait3A_45 : memref<1x128xi32, #tpu.memory_space<hbm>> -> memref<128xi32, #tpu.memory_space<hbm>>
        tpu.wait_dma2 semaphore(%run_scoped3A : memref<!tpu.dma_semaphore, #tpu.memory_space<semaphore_mem>>) src(%dma_wait3A_46 : memref<128xi32, #tpu.memory_space<hbm>>) dst(%arg8 : memref<128xi32, #tpu.memory_space<vmem>>)
        tpu.yield
      }) : () -> ()
      %dma_start3A = arith.constant 0 : i32
      %dma_start3A_31 = arith.constant 0 : i32
      %dma_start3A_32 = tpu.memref_slice %arg2[%dma_start3A, %dma_start3A_31] : memref<10000x128xf32, #tpu.memory_space<hbm>> -> memref<10000x128xf32, #tpu.memory_space<hbm>>
      tpu.enqueue_indirect_dma source(%dma_start3A_32 : memref<10000x128xf32, #tpu.memory_space<hbm>>) target(%arg9 : memref<128x128xf32, #tpu.memory_space<vmem>>) offsets(%arg7 : memref<128xi32, #tpu.memory_space<vmem>>) semaphore(%arg11 : memref<!tpu.dma_semaphore, #tpu.memory_space<semaphore_mem>>)
      %dma_wait3A = arith.constant 0 : i32
      %dma_wait3A_33 = arith.constant 0 : i32
      %dma_wait3A_34 = tpu.memref_slice %arg2[%dma_wait3A, %dma_wait3A_33] : memref<10000x128xf32, #tpu.memory_space<hbm>> -> memref<10000x128xf32, #tpu.memory_space<hbm>>
      tpu.wait_indirect_dma semaphore(%arg11 : memref<!tpu.dma_semaphore, #tpu.memory_space<semaphore_mem>>) src(%dma_wait3A_34 : memref<10000x128xf32, #tpu.memory_space<hbm>>) dst(%arg9 : memref<128x128xf32, #tpu.memory_space<vmem>>)
      "tpu.region"() ({
        %run_scoped3A = tpu.sem_alloc : memref<!tpu.dma_semaphore, #tpu.memory_space<semaphore_mem>>
        %dma_start3A_35 = arith.constant 0 : i32
        %dma_start3A_36 = arith.constant 0 : i32
        %dma_start3A_37 = tpu.memref_slice %arg10[%dma_start3A_35, %dma_start3A_36] : memref<10240x128xf32, #tpu.memory_space<vmem_shared>> -> memref<10240x128xf32, #tpu.memory_space<vmem_shared>>
        tpu.enqueue_indirect_dma source(%arg9 : memref<128x128xf32, #tpu.memory_space<vmem>>) target(%dma_start3A_37 : memref<10240x128xf32, #tpu.memory_space<vmem_shared>>) offsets(%arg8 : memref<128xi32, #tpu.memory_space<vmem>>) semaphore(%run_scoped3A : memref<!tpu.dma_semaphore, #tpu.memory_space<semaphore_mem>>) {add = true}
        %dma_wait3A_38 = arith.constant 0 : i32
        %dma_wait3A_39 = arith.constant 0 : i32
        %dma_wait3A_40 = tpu.memref_slice %arg10[%dma_wait3A_38, %dma_wait3A_39] : memref<10240x128xf32, #tpu.memory_space<vmem_shared>> -> memref<10240x128xf32, #tpu.memory_space<vmem_shared>>
        tpu.wait_indirect_dma semaphore(%run_scoped3A : memref<!tpu.dma_semaphore, #tpu.memory_space<semaphore_mem>>) src(%arg9 : memref<128x128xf32, #tpu.memory_space<vmem>>) dst(%dma_wait3A_40 : memref<10240x128xf32, #tpu.memory_space<vmem_shared>>)
        tpu.yield
      }) : () -> ()
    }
    %barrier3A_21 = arith.constant 0 : index
    tpu.barrier barrier_id(%barrier3A_21)
    %mul3A_22 = arith.constant 10240 : i32
    %mul3A_23 = arith.muli %arg0, %mul3A_22 : i32
    %mul3A_24 = arith.constant 640 : i32
    %mul3A_25 = arith.muli %arg1, %mul3A_24 : i32
    %add3A_26 = arith.addi %mul3A_23, %mul3A_25 : i32
    %mul3A_27 = arith.constant 640 : i32
    %mul3A_28 = arith.muli %arg1, %mul3A_27 : i32
    "tpu.region"() ({
      %run_scoped3A = tpu.sem_alloc : memref<!tpu.dma_semaphore, #tpu.memory_space<semaphore_mem>>
      %dma_start3A = arith.constant 0 : i32
      %dma_start3A_29 = tpu.memref_slice %arg6[%add3A_26, %dma_start3A] : memref<20480x128xf32, #tpu.memory_space<hbm>> -> memref<640x128xf32, #tpu.memory_space<hbm>>
      %dma_start3A_30 = arith.constant 0 : i32
      %dma_start3A_31 = tpu.memref_slice %arg10[%mul3A_28, %dma_start3A_30] : memref<10240x128xf32, #tpu.memory_space<vmem_shared>> -> memref<640x128xf32, #tpu.memory_space<vmem_shared>>
      tpu.enqueue_dma source(%dma_start3A_31 : memref<640x128xf32, #tpu.memory_space<vmem_shared>>) target(%dma_start3A_29 : memref<640x128xf32, #tpu.memory_space<hbm>>) target_semaphore(%run_scoped3A : memref<!tpu.dma_semaphore, #tpu.memory_space<semaphore_mem>>)
      %dma_wait3A = arith.constant 0 : i32
      %dma_wait3A_32 = tpu.memref_slice %arg6[%add3A_26, %dma_wait3A] : memref<20480x128xf32, #tpu.memory_space<hbm>> -> memref<640x128xf32, #tpu.memory_space<hbm>>
      %dma_wait3A_33 = arith.constant 0 : i32
      %dma_wait3A_34 = tpu.memref_slice %arg10[%mul3A_28, %dma_wait3A_33] : memref<10240x128xf32, #tpu.memory_space<vmem_shared>> -> memref<640x128xf32, #tpu.memory_space<vmem_shared>>
      tpu.wait_dma2 semaphore(%run_scoped3A : memref<!tpu.dma_semaphore, #tpu.memory_space<semaphore_mem>>) src(%dma_wait3A_34 : memref<640x128xf32, #tpu.memory_space<vmem_shared>>) dst(%dma_wait3A_32 : memref<640x128xf32, #tpu.memory_space<hbm>>)
      tpu.yield
    }) : () -> ()
    return
  }
}

#map = affine_map<(d0, d1) -> (0, 0)>
module attributes {stable_mosaic.version = 14 : i64} {
  func.func @scatter_k(%arg0: i32, %arg1: i32, %arg2: memref<10000x128xf32, #tpu.memory_space<hbm>>, %arg3: memref<2528x128xi32, #tpu.memory_space<hbm>>, %arg4: memref<2528x128xi32, #tpu.memory_space<hbm>>, %arg5: memref<640x128xf32, #tpu.memory_space<hbm>>, %arg6: memref<20480x128xf32, #tpu.memory_space<hbm>>, %arg7: memref<128xi32, #tpu.memory_space<vmem>>, %arg8: memref<128xi32, #tpu.memory_space<vmem>>, %arg9: memref<128x128xf32, #tpu.memory_space<vmem>>, %arg10: memref<10240x128xf32, #tpu.memory_space<vmem_shared>>, %arg11: memref<!tpu.dma_semaphore, #tpu.memory_space<semaphore_mem>>) attributes {dimension_semantics = [#tpu.dimension_semantics<core_parallel>, #tpu.dimension_semantics<subcore_parallel>], iteration_bounds = array<i64: 2, 16>, scalar_prefetch = 0 : i64, scratch_operands = 5 : i64, tpu.core_type = #tpu.core_type<sc_vector_subcore>, window_params = [{transform_indices = #map}, {transform_indices = #map}, {transform_indices = #map}, {transform_indices = #map}, {transform_indices = #map}]} {
    %mul3A = arith.constant 640 : i32
    %mul3A_0 = arith.muli %arg1, %mul3A : i32
    "tpu.region"() ({
      %run_scoped3A = tpu.sem_alloc : memref<!tpu.dma_semaphore, #tpu.memory_space<semaphore_mem>>
      %dma_start3A = arith.constant 0 : i32
      %dma_start3A_29 = tpu.memref_slice %arg10[%mul3A_0, %dma_start3A] : memref<10240x128xf32, #tpu.memory_space<vmem_shared>> -> memref<640x128xf32, #tpu.memory_space<vmem_shared>>
      tpu.enqueue_dma source(%arg5 : memref<640x128xf32, #tpu.memory_space<hbm>>) target(%dma_start3A_29 : memref<640x128xf32, #tpu.memory_space<vmem_shared>>) target_semaphore(%run_scoped3A : memref<!tpu.dma_semaphore, #tpu.memory_space<semaphore_mem>>)
      %dma_wait3A = arith.constant 0 : i32
      %dma_wait3A_30 = tpu.memref_slice %arg10[%mul3A_0, %dma_wait3A] : memref<10240x128xf32, #tpu.memory_space<vmem_shared>> -> memref<640x128xf32, #tpu.memory_space<vmem_shared>>
      tpu.wait_dma2 semaphore(%run_scoped3A : memref<!tpu.dma_semaphore, #tpu.memory_space<semaphore_mem>>) src(%arg5 : memref<640x128xf32, #tpu.memory_space<hbm>>) dst(%dma_wait3A_30 : memref<640x128xf32, #tpu.memory_space<vmem_shared>>)
      tpu.yield
    }) : () -> ()
    %barrier3A = arith.constant 0 : index
    tpu.barrier barrier_id(%barrier3A)
    %eq3A = arith.constant 0 : i32
    %eq3A_1 = arith.cmpi eq, %arg0, %eq3A : i32
    %select_n3A = arith.constant 46 : i32
    %select_n3A_2 = arith.constant 112 : i32
    %select_n3A_3 = arith.select %eq3A_1, %select_n3A_2, %select_n3A : i32
    %eq3A_4 = arith.constant 0 : i32
    %eq3A_5 = arith.cmpi eq, %arg0, %eq3A_4 : i32
    %mul3A_6 = arith.constant 112 : i32
    %mul3A_7 = arith.muli %arg1, %mul3A_6 : i32
    %mul3A_8 = arith.constant 46 : i32
    %mul3A_9 = arith.muli %arg1, %mul3A_8 : i32
    %add3A = arith.constant 1792 : i32
    %add3A_10 = arith.addi %add3A, %mul3A_9 : i32
    %select_n3A_11 = arith.select %eq3A_5, %mul3A_7, %add3A_10 : i32
    %while3A = arith.constant 0 : i32
    %while3A_12 = arith.constant 0 : i32
    %while3A_13 = arith.subi %select_n3A_3, %while3A_12 : i32
    %while3A_14 = arith.addi %while3A_12, %while3A_13 : i32
    %while3A_15 = arith.constant 1 : i32
    %while3A_16 = arith.divsi %while3A_13, %while3A_15 : i32
    %while3A_17 = arith.muli %while3A_16, %while3A_15 : i32
    %while3A_18 = arith.addi %while3A_12, %while3A_17 : i32
    %while3A_19 = arith.constant 1 : i32
    scf.for %while3A_29 = %while3A_12 to %while3A_18 step %while3A_19  : i32 {
      %add3A_30 = arith.addi %select_n3A_11, %while3A_29 : i32
      "tpu.region"() ({
        %run_scoped3A = tpu.sem_alloc : memref<!tpu.dma_semaphore, #tpu.memory_space<semaphore_mem>>
        %dma_start3A_35 = arith.constant 0 : i32
        %dma_start3A_36 = tpu.memref_slice %arg3[%add3A_30, %dma_start3A_35] : memref<2528x128xi32, #tpu.memory_space<hbm>> -> memref<1x128xi32, #tpu.memory_space<hbm>>
        %dma_start3A_37 = tpu.memref_squeeze %dma_start3A_36 : memref<1x128xi32, #tpu.memory_space<hbm>> -> memref<128xi32, #tpu.memory_space<hbm>>
        %dma_start3A_38 = arith.constant 0 : i32
        %dma_start3A_39 = tpu.memref_slice %arg3[%add3A_30, %dma_start3A_38] : memref<2528x128xi32, #tpu.memory_space<hbm>> -> memref<1x128xi32, #tpu.memory_space<hbm>>
        %dma_start3A_40 = tpu.memref_squeeze %dma_start3A_39 : memref<1x128xi32, #tpu.memory_space<hbm>> -> memref<128xi32, #tpu.memory_space<hbm>>
        tpu.enqueue_dma source(%dma_start3A_40 : memref<128xi32, #tpu.memory_space<hbm>>) target(%arg7 : memref<128xi32, #tpu.memory_space<vmem>>) target_semaphore(%run_scoped3A : memref<!tpu.dma_semaphore, #tpu.memory_space<semaphore_mem>>)
        %dma_wait3A_41 = arith.constant 0 : i32
        %dma_wait3A_42 = tpu.memref_slice %arg3[%add3A_30, %dma_wait3A_41] : memref<2528x128xi32, #tpu.memory_space<hbm>> -> memref<1x128xi32, #tpu.memory_space<hbm>>
        %dma_wait3A_43 = tpu.memref_squeeze %dma_wait3A_42 : memref<1x128xi32, #tpu.memory_space<hbm>> -> memref<128xi32, #tpu.memory_space<hbm>>
        %dma_wait3A_44 = arith.constant 0 : i32
        %dma_wait3A_45 = tpu.memref_slice %arg3[%add3A_30, %dma_wait3A_44] : memref<2528x128xi32, #tpu.memory_space<hbm>> -> memref<1x128xi32, #tpu.memory_space<hbm>>
        %dma_wait3A_46 = tpu.memref_squeeze %dma_wait3A_45 : memref<1x128xi32, #tpu.memory_space<hbm>> -> memref<128xi32, #tpu.memory_space<hbm>>
        tpu.wait_dma2 semaphore(%run_scoped3A : memref<!tpu.dma_semaphore, #tpu.memory_space<semaphore_mem>>) src(%dma_wait3A_46 : memref<128xi32, #tpu.memory_space<hbm>>) dst(%arg7 : memref<128xi32, #tpu.memory_space<vmem>>)
        tpu.yield
      }) : () -> ()
      "tpu.region"() ({
        %run_scoped3A = tpu.sem_alloc : memref<!tpu.dma_semaphore, #tpu.memory_space<semaphore_mem>>
        %dma_start3A_35 = arith.constant 0 : i32
        %dma_start3A_36 = tpu.memref_slice %arg4[%add3A_30, %dma_start3A_35] : memref<2528x128xi32, #tpu.memory_space<hbm>> -> memref<1x128xi32, #tpu.memory_space<hbm>>
        %dma_start3A_37 = tpu.memref_squeeze %dma_start3A_36 : memref<1x128xi32, #tpu.memory_space<hbm>> -> memref<128xi32, #tpu.memory_space<hbm>>
        %dma_start3A_38 = arith.constant 0 : i32
        %dma_start3A_39 = tpu.memref_slice %arg4[%add3A_30, %dma_start3A_38] : memref<2528x128xi32, #tpu.memory_space<hbm>> -> memref<1x128xi32, #tpu.memory_space<hbm>>
        %dma_start3A_40 = tpu.memref_squeeze %dma_start3A_39 : memref<1x128xi32, #tpu.memory_space<hbm>> -> memref<128xi32, #tpu.memory_space<hbm>>
        tpu.enqueue_dma source(%dma_start3A_40 : memref<128xi32, #tpu.memory_space<hbm>>) target(%arg8 : memref<128xi32, #tpu.memory_space<vmem>>) target_semaphore(%run_scoped3A : memref<!tpu.dma_semaphore, #tpu.memory_space<semaphore_mem>>)
        %dma_wait3A_41 = arith.constant 0 : i32
        %dma_wait3A_42 = tpu.memref_slice %arg4[%add3A_30, %dma_wait3A_41] : memref<2528x128xi32, #tpu.memory_space<hbm>> -> memref<1x128xi32, #tpu.memory_space<hbm>>
        %dma_wait3A_43 = tpu.memref_squeeze %dma_wait3A_42 : memref<1x128xi32, #tpu.memory_space<hbm>> -> memref<128xi32, #tpu.memory_space<hbm>>
        %dma_wait3A_44 = arith.constant 0 : i32
        %dma_wait3A_45 = tpu.memref_slice %arg4[%add3A_30, %dma_wait3A_44] : memref<2528x128xi32, #tpu.memory_space<hbm>> -> memref<1x128xi32, #tpu.memory_space<hbm>>
        %dma_wait3A_46 = tpu.memref_squeeze %dma_wait3A_45 : memref<1x128xi32, #tpu.memory_space<hbm>> -> memref<128xi32, #tpu.memory_space<hbm>>
        tpu.wait_dma2 semaphore(%run_scoped3A : memref<!tpu.dma_semaphore, #tpu.memory_space<semaphore_mem>>) src(%dma_wait3A_46 : memref<128xi32, #tpu.memory_space<hbm>>) dst(%arg8 : memref<128xi32, #tpu.memory_space<vmem>>)
        tpu.yield
      }) : () -> ()
      %dma_start3A = arith.constant 0 : i32
      %dma_start3A_31 = arith.constant 0 : i32
      %dma_start3A_32 = tpu.memref_slice %arg2[%dma_start3A, %dma_start3A_31] : memref<10000x128xf32, #tpu.memory_space<hbm>> -> memref<10000x128xf32, #tpu.memory_space<hbm>>
      tpu.enqueue_indirect_dma source(%dma_start3A_32 : memref<10000x128xf32, #tpu.memory_space<hbm>>) target(%arg9 : memref<128x128xf32, #tpu.memory_space<vmem>>) offsets(%arg7 : memref<128xi32, #tpu.memory_space<vmem>>) semaphore(%arg11 : memref<!tpu.dma_semaphore, #tpu.memory_space<semaphore_mem>>)
      %dma_wait3A = arith.constant 0 : i32
      %dma_wait3A_33 = arith.constant 0 : i32
      %dma_wait3A_34 = tpu.memref_slice %arg2[%dma_wait3A, %dma_wait3A_33] : memref<10000x128xf32, #tpu.memory_space<hbm>> -> memref<10000x128xf32, #tpu.memory_space<hbm>>
      tpu.wait_indirect_dma semaphore(%arg11 : memref<!tpu.dma_semaphore, #tpu.memory_space<semaphore_mem>>) src(%dma_wait3A_34 : memref<10000x128xf32, #tpu.memory_space<hbm>>) dst(%arg9 : memref<128x128xf32, #tpu.memory_space<vmem>>)
      "tpu.region"() ({
        %run_scoped3A = tpu.sem_alloc : memref<!tpu.dma_semaphore, #tpu.memory_space<semaphore_mem>>
        %dma_start3A_35 = arith.constant 0 : i32
        %dma_start3A_36 = arith.constant 0 : i32
        %dma_start3A_37 = tpu.memref_slice %arg10[%dma_start3A_35, %dma_start3A_36] : memref<10240x128xf32, #tpu.memory_space<vmem_shared>> -> memref<10240x128xf32, #tpu.memory_space<vmem_shared>>
        tpu.enqueue_indirect_dma source(%arg9 : memref<128x128xf32, #tpu.memory_space<vmem>>) target(%dma_start3A_37 : memref<10240x128xf32, #tpu.memory_space<vmem_shared>>) offsets(%arg8 : memref<128xi32, #tpu.memory_space<vmem>>) semaphore(%run_scoped3A : memref<!tpu.dma_semaphore, #tpu.memory_space<semaphore_mem>>) {add = true}
        %dma_wait3A_38 = arith.constant 0 : i32
        %dma_wait3A_39 = arith.constant 0 : i32
        %dma_wait3A_40 = tpu.memref_slice %arg10[%dma_wait3A_38, %dma_wait3A_39] : memref<10240x128xf32, #tpu.memory_space<vmem_shared>> -> memref<10240x128xf32, #tpu.memory_space<vmem_shared>>
        tpu.wait_indirect_dma semaphore(%run_scoped3A : memref<!tpu.dma_semaphore, #tpu.memory_space<semaphore_mem>>) src(%arg9 : memref<128x128xf32, #tpu.memory_space<vmem>>) dst(%dma_wait3A_40 : memref<10240x128xf32, #tpu.memory_space<vmem_shared>>)
        tpu.yield
      }) : () -> ()
    }
    %while3A_20 = arith.constant 1 : i32
    scf.for %while3A_29 = %while3A_18 to %while3A_14 step %while3A_20  : i32 {
      %add3A_30 = arith.addi %select_n3A_11, %while3A_29 : i32
      "tpu.region"() ({
        %run_scoped3A = tpu.sem_alloc : memref<!tpu.dma_semaphore, #tpu.memory_space<semaphore_mem>>
        %dma_start3A_35 = arith.constant 0 : i32
        %dma_start3A_36 = tpu.memref_slice %arg3[%add3A_30, %dma_start3A_35] : memref<2528x128xi32, #tpu.memory_space<hbm>> -> memref<1x128xi32, #tpu.memory_space<hbm>>
        %dma_start3A_37 = tpu.memref_squeeze %dma_start3A_36 : memref<1x128xi32, #tpu.memory_space<hbm>> -> memref<128xi32, #tpu.memory_space<hbm>>
        %dma_start3A_38 = arith.constant 0 : i32
        %dma_start3A_39 = tpu.memref_slice %arg3[%add3A_30, %dma_start3A_38] : memref<2528x128xi32, #tpu.memory_space<hbm>> -> memref<1x128xi32, #tpu.memory_space<hbm>>
        %dma_start3A_40 = tpu.memref_squeeze %dma_start3A_39 : memref<1x128xi32, #tpu.memory_space<hbm>> -> memref<128xi32, #tpu.memory_space<hbm>>
        tpu.enqueue_dma source(%dma_start3A_40 : memref<128xi32, #tpu.memory_space<hbm>>) target(%arg7 : memref<128xi32, #tpu.memory_space<vmem>>) target_semaphore(%run_scoped3A : memref<!tpu.dma_semaphore, #tpu.memory_space<semaphore_mem>>)
        %dma_wait3A_41 = arith.constant 0 : i32
        %dma_wait3A_42 = tpu.memref_slice %arg3[%add3A_30, %dma_wait3A_41] : memref<2528x128xi32, #tpu.memory_space<hbm>> -> memref<1x128xi32, #tpu.memory_space<hbm>>
        %dma_wait3A_43 = tpu.memref_squeeze %dma_wait3A_42 : memref<1x128xi32, #tpu.memory_space<hbm>> -> memref<128xi32, #tpu.memory_space<hbm>>
        %dma_wait3A_44 = arith.constant 0 : i32
        %dma_wait3A_45 = tpu.memref_slice %arg3[%add3A_30, %dma_wait3A_44] : memref<2528x128xi32, #tpu.memory_space<hbm>> -> memref<1x128xi32, #tpu.memory_space<hbm>>
        %dma_wait3A_46 = tpu.memref_squeeze %dma_wait3A_45 : memref<1x128xi32, #tpu.memory_space<hbm>> -> memref<128xi32, #tpu.memory_space<hbm>>
        tpu.wait_dma2 semaphore(%run_scoped3A : memref<!tpu.dma_semaphore, #tpu.memory_space<semaphore_mem>>) src(%dma_wait3A_46 : memref<128xi32, #tpu.memory_space<hbm>>) dst(%arg7 : memref<128xi32, #tpu.memory_space<vmem>>)
        tpu.yield
      }) : () -> ()
      "tpu.region"() ({
        %run_scoped3A = tpu.sem_alloc : memref<!tpu.dma_semaphore, #tpu.memory_space<semaphore_mem>>
        %dma_start3A_35 = arith.constant 0 : i32
        %dma_start3A_36 = tpu.memref_slice %arg4[%add3A_30, %dma_start3A_35] : memref<2528x128xi32, #tpu.memory_space<hbm>> -> memref<1x128xi32, #tpu.memory_space<hbm>>
        %dma_start3A_37 = tpu.memref_squeeze %dma_start3A_36 : memref<1x128xi32, #tpu.memory_space<hbm>> -> memref<128xi32, #tpu.memory_space<hbm>>
        %dma_start3A_38 = arith.constant 0 : i32
        %dma_start3A_39 = tpu.memref_slice %arg4[%add3A_30, %dma_start3A_38] : memref<2528x128xi32, #tpu.memory_space<hbm>> -> memref<1x128xi32, #tpu.memory_space<hbm>>
        %dma_start3A_40 = tpu.memref_squeeze %dma_start3A_39 : memref<1x128xi32, #tpu.memory_space<hbm>> -> memref<128xi32, #tpu.memory_space<hbm>>
        tpu.enqueue_dma source(%dma_start3A_40 : memref<128xi32, #tpu.memory_space<hbm>>) target(%arg8 : memref<128xi32, #tpu.memory_space<vmem>>) target_semaphore(%run_scoped3A : memref<!tpu.dma_semaphore, #tpu.memory_space<semaphore_mem>>)
        %dma_wait3A_41 = arith.constant 0 : i32
        %dma_wait3A_42 = tpu.memref_slice %arg4[%add3A_30, %dma_wait3A_41] : memref<2528x128xi32, #tpu.memory_space<hbm>> -> memref<1x128xi32, #tpu.memory_space<hbm>>
        %dma_wait3A_43 = tpu.memref_squeeze %dma_wait3A_42 : memref<1x128xi32, #tpu.memory_space<hbm>> -> memref<128xi32, #tpu.memory_space<hbm>>
        %dma_wait3A_44 = arith.constant 0 : i32
        %dma_wait3A_45 = tpu.memref_slice %arg4[%add3A_30, %dma_wait3A_44] : memref<2528x128xi32, #tpu.memory_space<hbm>> -> memref<1x128xi32, #tpu.memory_space<hbm>>
        %dma_wait3A_46 = tpu.memref_squeeze %dma_wait3A_45 : memref<1x128xi32, #tpu.memory_space<hbm>> -> memref<128xi32, #tpu.memory_space<hbm>>
        tpu.wait_dma2 semaphore(%run_scoped3A : memref<!tpu.dma_semaphore, #tpu.memory_space<semaphore_mem>>) src(%dma_wait3A_46 : memref<128xi32, #tpu.memory_space<hbm>>) dst(%arg8 : memref<128xi32, #tpu.memory_space<vmem>>)
        tpu.yield
      }) : () -> ()
      %dma_start3A = arith.constant 0 : i32
      %dma_start3A_31 = arith.constant 0 : i32
      %dma_start3A_32 = tpu.memref_slice %arg2[%dma_start3A, %dma_start3A_31] : memref<10000x128xf32, #tpu.memory_space<hbm>> -> memref<10000x128xf32, #tpu.memory_space<hbm>>
      tpu.enqueue_indirect_dma source(%dma_start3A_32 : memref<10000x128xf32, #tpu.memory_space<hbm>>) target(%arg9 : memref<128x128xf32, #tpu.memory_space<vmem>>) offsets(%arg7 : memref<128xi32, #tpu.memory_space<vmem>>) semaphore(%arg11 : memref<!tpu.dma_semaphore, #tpu.memory_space<semaphore_mem>>)
      %dma_wait3A = arith.constant 0 : i32
      %dma_wait3A_33 = arith.constant 0 : i32
      %dma_wait3A_34 = tpu.memref_slice %arg2[%dma_wait3A, %dma_wait3A_33] : memref<10000x128xf32, #tpu.memory_space<hbm>> -> memref<10000x128xf32, #tpu.memory_space<hbm>>
      tpu.wait_indirect_dma semaphore(%arg11 : memref<!tpu.dma_semaphore, #tpu.memory_space<semaphore_mem>>) src(%dma_wait3A_34 : memref<10000x128xf32, #tpu.memory_space<hbm>>) dst(%arg9 : memref<128x128xf32, #tpu.memory_space<vmem>>)
      "tpu.region"() ({
        %run_scoped3A = tpu.sem_alloc : memref<!tpu.dma_semaphore, #tpu.memory_space<semaphore_mem>>
        %dma_start3A_35 = arith.constant 0 : i32
        %dma_start3A_36 = arith.constant 0 : i32
        %dma_start3A_37 = tpu.memref_slice %arg10[%dma_start3A_35, %dma_start3A_36] : memref<10240x128xf32, #tpu.memory_space<vmem_shared>> -> memref<10240x128xf32, #tpu.memory_space<vmem_shared>>
        tpu.enqueue_indirect_dma source(%arg9 : memref<128x128xf32, #tpu.memory_space<vmem>>) target(%dma_start3A_37 : memref<10240x128xf32, #tpu.memory_space<vmem_shared>>) offsets(%arg8 : memref<128xi32, #tpu.memory_space<vmem>>) semaphore(%run_scoped3A : memref<!tpu.dma_semaphore, #tpu.memory_space<semaphore_mem>>) {add = true}
        %dma_wait3A_38 = arith.constant 0 : i32
        %dma_wait3A_39 = arith.constant 0 : i32
        %dma_wait3A_40 = tpu.memref_slice %arg10[%dma_wait3A_38, %dma_wait3A_39] : memref<10240x128xf32, #tpu.memory_space<vmem_shared>> -> memref<10240x128xf32, #tpu.memory_space<vmem_shared>>
        tpu.wait_indirect_dma semaphore(%run_scoped3A : memref<!tpu.dma_semaphore, #tpu.memory_space<semaphore_mem>>) src(%arg9 : memref<128x128xf32, #tpu.memory_space<vmem>>) dst(%dma_wait3A_40 : memref<10240x128xf32, #tpu.memory_space<vmem_shared>>)
        tpu.yield
      }) : () -> ()
    }
    %barrier3A_21 = arith.constant 0 : index
    tpu.barrier barrier_id(%barrier3A_21)
    %mul3A_22 = arith.constant 10240 : i32
    %mul3A_23 = arith.muli %arg0, %mul3A_22 : i32
    %mul3A_24 = arith.constant 640 : i32
    %mul3A_25 = arith.muli %arg1, %mul3A_24 : i32
    %add3A_26 = arith.addi %mul3A_23, %mul3A_25 : i32
    %mul3A_27 = arith.constant 640 : i32
    %mul3A_28 = arith.muli %arg1, %mul3A_27 : i32
    "tpu.region"() ({
      %run_scoped3A = tpu.sem_alloc : memref<!tpu.dma_semaphore, #tpu.memory_space<semaphore_mem>>
      %dma_start3A = arith.constant 0 : i32
      %dma_start3A_29 = tpu.memref_slice %arg6[%add3A_26, %dma_start3A] : memref<20480x128xf32, #tpu.memory_space<hbm>> -> memref<640x128xf32, #tpu.memory_space<hbm>>
      %dma_start3A_30 = arith.constant 0 : i32
      %dma_start3A_31 = tpu.memref_slice %arg10[%mul3A_28, %dma_start3A_30] : memref<10240x128xf32, #tpu.memory_space<vmem_shared>> -> memref<640x128xf32, #tpu.memory_space<vmem_shared>>
      tpu.enqueue_dma source(%dma_start3A_31 : memref<640x128xf32, #tpu.memory_space<vmem_shared>>) target(%dma_start3A_29 : memref<640x128xf32, #tpu.memory_space<hbm>>) target_semaphore(%run_scoped3A : memref<!tpu.dma_semaphore, #tpu.memory_space<semaphore_mem>>)
      %dma_wait3A = arith.constant 0 : i32
      %dma_wait3A_32 = tpu.memref_slice %arg6[%add3A_26, %dma_wait3A] : memref<20480x128xf32, #tpu.memory_space<hbm>> -> memref<640x128xf32, #tpu.memory_space<hbm>>
      %dma_wait3A_33 = arith.constant 0 : i32
      %dma_wait3A_34 = tpu.memref_slice %arg10[%mul3A_28, %dma_wait3A_33] : memref<10240x128xf32, #tpu.memory_space<vmem_shared>> -> memref<640x128xf32, #tpu.memory_space<vmem_shared>>
      tpu.wait_dma2 semaphore(%run_scoped3A : memref<!tpu.dma_semaphore, #tpu.memory_space<semaphore_mem>>) src(%dma_wait3A_34 : memref<640x128xf32, #tpu.memory_space<vmem_shared>>) dst(%dma_wait3A_32 : memref<640x128xf32, #tpu.memory_space<hbm>>)
      tpu.yield
    }) : () -> ()
    return
  }
}

#map = affine_map<(d0, d1) -> (0, 0)>
module attributes {stable_mosaic.version = 14 : i64} {
  func.func @scatter_k(%arg0: i32, %arg1: i32, %arg2: memref<10000x128xf32, #tpu.memory_space<hbm>>, %arg3: memref<2528x128xi32, #tpu.memory_space<hbm>>, %arg4: memref<2528x128xi32, #tpu.memory_space<hbm>>, %arg5: memref<640x128xf32, #tpu.memory_space<hbm>>, %arg6: memref<20480x128xf32, #tpu.memory_space<hbm>>, %arg7: memref<128xi32, #tpu.memory_space<vmem>>, %arg8: memref<128xi32, #tpu.memory_space<vmem>>, %arg9: memref<128x128xf32, #tpu.memory_space<vmem>>, %arg10: memref<10240x128xf32, #tpu.memory_space<vmem_shared>>, %arg11: memref<!tpu.dma_semaphore, #tpu.memory_space<semaphore_mem>>) attributes {dimension_semantics = [#tpu.dimension_semantics<core_parallel>, #tpu.dimension_semantics<subcore_parallel>], iteration_bounds = array<i64: 2, 16>, scalar_prefetch = 0 : i64, scratch_operands = 5 : i64, tpu.core_type = #tpu.core_type<sc_vector_subcore>, window_params = [{transform_indices = #map}, {transform_indices = #map}, {transform_indices = #map}, {transform_indices = #map}, {transform_indices = #map}]} {
    %mul3A = arith.constant 640 : i32
    %mul3A_0 = arith.muli %arg1, %mul3A : i32
    "tpu.region"() ({
      %run_scoped3A = tpu.sem_alloc : memref<!tpu.dma_semaphore, #tpu.memory_space<semaphore_mem>>
      %dma_start3A = arith.constant 0 : i32
      %dma_start3A_29 = tpu.memref_slice %arg10[%mul3A_0, %dma_start3A] : memref<10240x128xf32, #tpu.memory_space<vmem_shared>> -> memref<640x128xf32, #tpu.memory_space<vmem_shared>>
      tpu.enqueue_dma source(%arg5 : memref<640x128xf32, #tpu.memory_space<hbm>>) target(%dma_start3A_29 : memref<640x128xf32, #tpu.memory_space<vmem_shared>>) target_semaphore(%run_scoped3A : memref<!tpu.dma_semaphore, #tpu.memory_space<semaphore_mem>>)
      %dma_wait3A = arith.constant 0 : i32
      %dma_wait3A_30 = tpu.memref_slice %arg10[%mul3A_0, %dma_wait3A] : memref<10240x128xf32, #tpu.memory_space<vmem_shared>> -> memref<640x128xf32, #tpu.memory_space<vmem_shared>>
      tpu.wait_dma2 semaphore(%run_scoped3A : memref<!tpu.dma_semaphore, #tpu.memory_space<semaphore_mem>>) src(%arg5 : memref<640x128xf32, #tpu.memory_space<hbm>>) dst(%dma_wait3A_30 : memref<640x128xf32, #tpu.memory_space<vmem_shared>>)
      tpu.yield
    }) : () -> ()
    %barrier3A = arith.constant 0 : index
    tpu.barrier barrier_id(%barrier3A)
    %eq3A = arith.constant 0 : i32
    %eq3A_1 = arith.cmpi eq, %arg0, %eq3A : i32
    %select_n3A = arith.constant 46 : i32
    %select_n3A_2 = arith.constant 112 : i32
    %select_n3A_3 = arith.select %eq3A_1, %select_n3A_2, %select_n3A : i32
    %eq3A_4 = arith.constant 0 : i32
    %eq3A_5 = arith.cmpi eq, %arg0, %eq3A_4 : i32
    %mul3A_6 = arith.constant 112 : i32
    %mul3A_7 = arith.muli %arg1, %mul3A_6 : i32
    %mul3A_8 = arith.constant 46 : i32
    %mul3A_9 = arith.muli %arg1, %mul3A_8 : i32
    %add3A = arith.constant 1792 : i32
    %add3A_10 = arith.addi %add3A, %mul3A_9 : i32
    %select_n3A_11 = arith.select %eq3A_5, %mul3A_7, %add3A_10 : i32
    %while3A = arith.constant 0 : i32
    %while3A_12 = arith.constant 0 : i32
    %while3A_13 = arith.subi %select_n3A_3, %while3A_12 : i32
    %while3A_14 = arith.addi %while3A_12, %while3A_13 : i32
    %while3A_15 = arith.constant 1 : i32
    %while3A_16 = arith.divsi %while3A_13, %while3A_15 : i32
    %while3A_17 = arith.muli %while3A_16, %while3A_15 : i32
    %while3A_18 = arith.addi %while3A_12, %while3A_17 : i32
    %while3A_19 = arith.constant 1 : i32
    scf.for %while3A_29 = %while3A_12 to %while3A_18 step %while3A_19  : i32 {
      %add3A_30 = arith.addi %select_n3A_11, %while3A_29 : i32
      "tpu.region"() ({
        %run_scoped3A = tpu.sem_alloc : memref<!tpu.dma_semaphore, #tpu.memory_space<semaphore_mem>>
        %dma_start3A_35 = arith.constant 0 : i32
        %dma_start3A_36 = tpu.memref_slice %arg3[%add3A_30, %dma_start3A_35] : memref<2528x128xi32, #tpu.memory_space<hbm>> -> memref<1x128xi32, #tpu.memory_space<hbm>>
        %dma_start3A_37 = tpu.memref_squeeze %dma_start3A_36 : memref<1x128xi32, #tpu.memory_space<hbm>> -> memref<128xi32, #tpu.memory_space<hbm>>
        %dma_start3A_38 = arith.constant 0 : i32
        %dma_start3A_39 = tpu.memref_slice %arg3[%add3A_30, %dma_start3A_38] : memref<2528x128xi32, #tpu.memory_space<hbm>> -> memref<1x128xi32, #tpu.memory_space<hbm>>
        %dma_start3A_40 = tpu.memref_squeeze %dma_start3A_39 : memref<1x128xi32, #tpu.memory_space<hbm>> -> memref<128xi32, #tpu.memory_space<hbm>>
        tpu.enqueue_dma source(%dma_start3A_40 : memref<128xi32, #tpu.memory_space<hbm>>) target(%arg7 : memref<128xi32, #tpu.memory_space<vmem>>) target_semaphore(%run_scoped3A : memref<!tpu.dma_semaphore, #tpu.memory_space<semaphore_mem>>)
        %dma_wait3A_41 = arith.constant 0 : i32
        %dma_wait3A_42 = tpu.memref_slice %arg3[%add3A_30, %dma_wait3A_41] : memref<2528x128xi32, #tpu.memory_space<hbm>> -> memref<1x128xi32, #tpu.memory_space<hbm>>
        %dma_wait3A_43 = tpu.memref_squeeze %dma_wait3A_42 : memref<1x128xi32, #tpu.memory_space<hbm>> -> memref<128xi32, #tpu.memory_space<hbm>>
        %dma_wait3A_44 = arith.constant 0 : i32
        %dma_wait3A_45 = tpu.memref_slice %arg3[%add3A_30, %dma_wait3A_44] : memref<2528x128xi32, #tpu.memory_space<hbm>> -> memref<1x128xi32, #tpu.memory_space<hbm>>
        %dma_wait3A_46 = tpu.memref_squeeze %dma_wait3A_45 : memref<1x128xi32, #tpu.memory_space<hbm>> -> memref<128xi32, #tpu.memory_space<hbm>>
        tpu.wait_dma2 semaphore(%run_scoped3A : memref<!tpu.dma_semaphore, #tpu.memory_space<semaphore_mem>>) src(%dma_wait3A_46 : memref<128xi32, #tpu.memory_space<hbm>>) dst(%arg7 : memref<128xi32, #tpu.memory_space<vmem>>)
        tpu.yield
      }) : () -> ()
      "tpu.region"() ({
        %run_scoped3A = tpu.sem_alloc : memref<!tpu.dma_semaphore, #tpu.memory_space<semaphore_mem>>
        %dma_start3A_35 = arith.constant 0 : i32
        %dma_start3A_36 = tpu.memref_slice %arg4[%add3A_30, %dma_start3A_35] : memref<2528x128xi32, #tpu.memory_space<hbm>> -> memref<1x128xi32, #tpu.memory_space<hbm>>
        %dma_start3A_37 = tpu.memref_squeeze %dma_start3A_36 : memref<1x128xi32, #tpu.memory_space<hbm>> -> memref<128xi32, #tpu.memory_space<hbm>>
        %dma_start3A_38 = arith.constant 0 : i32
        %dma_start3A_39 = tpu.memref_slice %arg4[%add3A_30, %dma_start3A_38] : memref<2528x128xi32, #tpu.memory_space<hbm>> -> memref<1x128xi32, #tpu.memory_space<hbm>>
        %dma_start3A_40 = tpu.memref_squeeze %dma_start3A_39 : memref<1x128xi32, #tpu.memory_space<hbm>> -> memref<128xi32, #tpu.memory_space<hbm>>
        tpu.enqueue_dma source(%dma_start3A_40 : memref<128xi32, #tpu.memory_space<hbm>>) target(%arg8 : memref<128xi32, #tpu.memory_space<vmem>>) target_semaphore(%run_scoped3A : memref<!tpu.dma_semaphore, #tpu.memory_space<semaphore_mem>>)
        %dma_wait3A_41 = arith.constant 0 : i32
        %dma_wait3A_42 = tpu.memref_slice %arg4[%add3A_30, %dma_wait3A_41] : memref<2528x128xi32, #tpu.memory_space<hbm>> -> memref<1x128xi32, #tpu.memory_space<hbm>>
        %dma_wait3A_43 = tpu.memref_squeeze %dma_wait3A_42 : memref<1x128xi32, #tpu.memory_space<hbm>> -> memref<128xi32, #tpu.memory_space<hbm>>
        %dma_wait3A_44 = arith.constant 0 : i32
        %dma_wait3A_45 = tpu.memref_slice %arg4[%add3A_30, %dma_wait3A_44] : memref<2528x128xi32, #tpu.memory_space<hbm>> -> memref<1x128xi32, #tpu.memory_space<hbm>>
        %dma_wait3A_46 = tpu.memref_squeeze %dma_wait3A_45 : memref<1x128xi32, #tpu.memory_space<hbm>> -> memref<128xi32, #tpu.memory_space<hbm>>
        tpu.wait_dma2 semaphore(%run_scoped3A : memref<!tpu.dma_semaphore, #tpu.memory_space<semaphore_mem>>) src(%dma_wait3A_46 : memref<128xi32, #tpu.memory_space<hbm>>) dst(%arg8 : memref<128xi32, #tpu.memory_space<vmem>>)
        tpu.yield
      }) : () -> ()
      %dma_start3A = arith.constant 0 : i32
      %dma_start3A_31 = arith.constant 0 : i32
      %dma_start3A_32 = tpu.memref_slice %arg2[%dma_start3A, %dma_start3A_31] : memref<10000x128xf32, #tpu.memory_space<hbm>> -> memref<10000x128xf32, #tpu.memory_space<hbm>>
      tpu.enqueue_indirect_dma source(%dma_start3A_32 : memref<10000x128xf32, #tpu.memory_space<hbm>>) target(%arg9 : memref<128x128xf32, #tpu.memory_space<vmem>>) offsets(%arg7 : memref<128xi32, #tpu.memory_space<vmem>>) semaphore(%arg11 : memref<!tpu.dma_semaphore, #tpu.memory_space<semaphore_mem>>)
      %dma_wait3A = arith.constant 0 : i32
      %dma_wait3A_33 = arith.constant 0 : i32
      %dma_wait3A_34 = tpu.memref_slice %arg2[%dma_wait3A, %dma_wait3A_33] : memref<10000x128xf32, #tpu.memory_space<hbm>> -> memref<10000x128xf32, #tpu.memory_space<hbm>>
      tpu.wait_indirect_dma semaphore(%arg11 : memref<!tpu.dma_semaphore, #tpu.memory_space<semaphore_mem>>) src(%dma_wait3A_34 : memref<10000x128xf32, #tpu.memory_space<hbm>>) dst(%arg9 : memref<128x128xf32, #tpu.memory_space<vmem>>)
      "tpu.region"() ({
        %run_scoped3A = tpu.sem_alloc : memref<!tpu.dma_semaphore, #tpu.memory_space<semaphore_mem>>
        %dma_start3A_35 = arith.constant 0 : i32
        %dma_start3A_36 = arith.constant 0 : i32
        %dma_start3A_37 = tpu.memref_slice %arg10[%dma_start3A_35, %dma_start3A_36] : memref<10240x128xf32, #tpu.memory_space<vmem_shared>> -> memref<10240x128xf32, #tpu.memory_space<vmem_shared>>
        tpu.enqueue_indirect_dma source(%arg9 : memref<128x128xf32, #tpu.memory_space<vmem>>) target(%dma_start3A_37 : memref<10240x128xf32, #tpu.memory_space<vmem_shared>>) offsets(%arg8 : memref<128xi32, #tpu.memory_space<vmem>>) semaphore(%run_scoped3A : memref<!tpu.dma_semaphore, #tpu.memory_space<semaphore_mem>>) {add = true}
        %dma_wait3A_38 = arith.constant 0 : i32
        %dma_wait3A_39 = arith.constant 0 : i32
        %dma_wait3A_40 = tpu.memref_slice %arg10[%dma_wait3A_38, %dma_wait3A_39] : memref<10240x128xf32, #tpu.memory_space<vmem_shared>> -> memref<10240x128xf32, #tpu.memory_space<vmem_shared>>
        tpu.wait_indirect_dma semaphore(%run_scoped3A : memref<!tpu.dma_semaphore, #tpu.memory_space<semaphore_mem>>) src(%arg9 : memref<128x128xf32, #tpu.memory_space<vmem>>) dst(%dma_wait3A_40 : memref<10240x128xf32, #tpu.memory_space<vmem_shared>>)
        tpu.yield
      }) : () -> ()
    }
    %while3A_20 = arith.constant 1 : i32
    scf.for %while3A_29 = %while3A_18 to %while3A_14 step %while3A_20  : i32 {
      %add3A_30 = arith.addi %select_n3A_11, %while3A_29 : i32
      "tpu.region"() ({
        %run_scoped3A = tpu.sem_alloc : memref<!tpu.dma_semaphore, #tpu.memory_space<semaphore_mem>>
        %dma_start3A_35 = arith.constant 0 : i32
        %dma_start3A_36 = tpu.memref_slice %arg3[%add3A_30, %dma_start3A_35] : memref<2528x128xi32, #tpu.memory_space<hbm>> -> memref<1x128xi32, #tpu.memory_space<hbm>>
        %dma_start3A_37 = tpu.memref_squeeze %dma_start3A_36 : memref<1x128xi32, #tpu.memory_space<hbm>> -> memref<128xi32, #tpu.memory_space<hbm>>
        %dma_start3A_38 = arith.constant 0 : i32
        %dma_start3A_39 = tpu.memref_slice %arg3[%add3A_30, %dma_start3A_38] : memref<2528x128xi32, #tpu.memory_space<hbm>> -> memref<1x128xi32, #tpu.memory_space<hbm>>
        %dma_start3A_40 = tpu.memref_squeeze %dma_start3A_39 : memref<1x128xi32, #tpu.memory_space<hbm>> -> memref<128xi32, #tpu.memory_space<hbm>>
        tpu.enqueue_dma source(%dma_start3A_40 : memref<128xi32, #tpu.memory_space<hbm>>) target(%arg7 : memref<128xi32, #tpu.memory_space<vmem>>) target_semaphore(%run_scoped3A : memref<!tpu.dma_semaphore, #tpu.memory_space<semaphore_mem>>)
        %dma_wait3A_41 = arith.constant 0 : i32
        %dma_wait3A_42 = tpu.memref_slice %arg3[%add3A_30, %dma_wait3A_41] : memref<2528x128xi32, #tpu.memory_space<hbm>> -> memref<1x128xi32, #tpu.memory_space<hbm>>
        %dma_wait3A_43 = tpu.memref_squeeze %dma_wait3A_42 : memref<1x128xi32, #tpu.memory_space<hbm>> -> memref<128xi32, #tpu.memory_space<hbm>>
        %dma_wait3A_44 = arith.constant 0 : i32
        %dma_wait3A_45 = tpu.memref_slice %arg3[%add3A_30, %dma_wait3A_44] : memref<2528x128xi32, #tpu.memory_space<hbm>> -> memref<1x128xi32, #tpu.memory_space<hbm>>
        %dma_wait3A_46 = tpu.memref_squeeze %dma_wait3A_45 : memref<1x128xi32, #tpu.memory_space<hbm>> -> memref<128xi32, #tpu.memory_space<hbm>>
        tpu.wait_dma2 semaphore(%run_scoped3A : memref<!tpu.dma_semaphore, #tpu.memory_space<semaphore_mem>>) src(%dma_wait3A_46 : memref<128xi32, #tpu.memory_space<hbm>>) dst(%arg7 : memref<128xi32, #tpu.memory_space<vmem>>)
        tpu.yield
      }) : () -> ()
      "tpu.region"() ({
        %run_scoped3A = tpu.sem_alloc : memref<!tpu.dma_semaphore, #tpu.memory_space<semaphore_mem>>
        %dma_start3A_35 = arith.constant 0 : i32
        %dma_start3A_36 = tpu.memref_slice %arg4[%add3A_30, %dma_start3A_35] : memref<2528x128xi32, #tpu.memory_space<hbm>> -> memref<1x128xi32, #tpu.memory_space<hbm>>
        %dma_start3A_37 = tpu.memref_squeeze %dma_start3A_36 : memref<1x128xi32, #tpu.memory_space<hbm>> -> memref<128xi32, #tpu.memory_space<hbm>>
        %dma_start3A_38 = arith.constant 0 : i32
        %dma_start3A_39 = tpu.memref_slice %arg4[%add3A_30, %dma_start3A_38] : memref<2528x128xi32, #tpu.memory_space<hbm>> -> memref<1x128xi32, #tpu.memory_space<hbm>>
        %dma_start3A_40 = tpu.memref_squeeze %dma_start3A_39 : memref<1x128xi32, #tpu.memory_space<hbm>> -> memref<128xi32, #tpu.memory_space<hbm>>
        tpu.enqueue_dma source(%dma_start3A_40 : memref<128xi32, #tpu.memory_space<hbm>>) target(%arg8 : memref<128xi32, #tpu.memory_space<vmem>>) target_semaphore(%run_scoped3A : memref<!tpu.dma_semaphore, #tpu.memory_space<semaphore_mem>>)
        %dma_wait3A_41 = arith.constant 0 : i32
        %dma_wait3A_42 = tpu.memref_slice %arg4[%add3A_30, %dma_wait3A_41] : memref<2528x128xi32, #tpu.memory_space<hbm>> -> memref<1x128xi32, #tpu.memory_space<hbm>>
        %dma_wait3A_43 = tpu.memref_squeeze %dma_wait3A_42 : memref<1x128xi32, #tpu.memory_space<hbm>> -> memref<128xi32, #tpu.memory_space<hbm>>
        %dma_wait3A_44 = arith.constant 0 : i32
        %dma_wait3A_45 = tpu.memref_slice %arg4[%add3A_30, %dma_wait3A_44] : memref<2528x128xi32, #tpu.memory_space<hbm>> -> memref<1x128xi32, #tpu.memory_space<hbm>>
        %dma_wait3A_46 = tpu.memref_squeeze %dma_wait3A_45 : memref<1x128xi32, #tpu.memory_space<hbm>> -> memref<128xi32, #tpu.memory_space<hbm>>
        tpu.wait_dma2 semaphore(%run_scoped3A : memref<!tpu.dma_semaphore, #tpu.memory_space<semaphore_mem>>) src(%dma_wait3A_46 : memref<128xi32, #tpu.memory_space<hbm>>) dst(%arg8 : memref<128xi32, #tpu.memory_space<vmem>>)
        tpu.yield
      }) : () -> ()
      %dma_start3A = arith.constant 0 : i32
      %dma_start3A_31 = arith.constant 0 : i32
      %dma_start3A_32 = tpu.memref_slice %arg2[%dma_start3A, %dma_start3A_31] : memref<10000x128xf32, #tpu.memory_space<hbm>> -> memref<10000x128xf32, #tpu.memory_space<hbm>>
      tpu.enqueue_indirect_dma source(%dma_start3A_32 : memref<10000x128xf32, #tpu.memory_space<hbm>>) target(%arg9 : memref<128x128xf32, #tpu.memory_space<vmem>>) offsets(%arg7 : memref<128xi32, #tpu.memory_space<vmem>>) semaphore(%arg11 : memref<!tpu.dma_semaphore, #tpu.memory_space<semaphore_mem>>)
      %dma_wait3A = arith.constant 0 : i32
      %dma_wait3A_33 = arith.constant 0 : i32
      %dma_wait3A_34 = tpu.memref_slice %arg2[%dma_wait3A, %dma_wait3A_33] : memref<10000x128xf32, #tpu.memory_space<hbm>> -> memref<10000x128xf32, #tpu.memory_space<hbm>>
      tpu.wait_indirect_dma semaphore(%arg11 : memref<!tpu.dma_semaphore, #tpu.memory_space<semaphore_mem>>) src(%dma_wait3A_34 : memref<10000x128xf32, #tpu.memory_space<hbm>>) dst(%arg9 : memref<128x128xf32, #tpu.memory_space<vmem>>)
      "tpu.region"() ({
        %run_scoped3A = tpu.sem_alloc : memref<!tpu.dma_semaphore, #tpu.memory_space<semaphore_mem>>
        %dma_start3A_35 = arith.constant 0 : i32
        %dma_start3A_36 = arith.constant 0 : i32
        %dma_start3A_37 = tpu.memref_slice %arg10[%dma_start3A_35, %dma_start3A_36] : memref<10240x128xf32, #tpu.memory_space<vmem_shared>> -> memref<10240x128xf32, #tpu.memory_space<vmem_shared>>
        tpu.enqueue_indirect_dma source(%arg9 : memref<128x128xf32, #tpu.memory_space<vmem>>) target(%dma_start3A_37 : memref<10240x128xf32, #tpu.memory_space<vmem_shared>>) offsets(%arg8 : memref<128xi32, #tpu.memory_space<vmem>>) semaphore(%run_scoped3A : memref<!tpu.dma_semaphore, #tpu.memory_space<semaphore_mem>>) {add = true}
        %dma_wait3A_38 = arith.constant 0 : i32
        %dma_wait3A_39 = arith.constant 0 : i32
        %dma_wait3A_40 = tpu.memref_slice %arg10[%dma_wait3A_38, %dma_wait3A_39] : memref<10240x128xf32, #tpu.memory_space<vmem_shared>> -> memref<10240x128xf32, #tpu.memory_space<vmem_shared>>
        tpu.wait_indirect_dma semaphore(%run_scoped3A : memref<!tpu.dma_semaphore, #tpu.memory_space<semaphore_mem>>) src(%arg9 : memref<128x128xf32, #tpu.memory_space<vmem>>) dst(%dma_wait3A_40 : memref<10240x128xf32, #tpu.memory_space<vmem_shared>>)
        tpu.yield
      }) : () -> ()
    }
    %barrier3A_21 = arith.constant 0 : index
    tpu.barrier barrier_id(%barrier3A_21)
    %mul3A_22 = arith.constant 10240 : i32
    %mul3A_23 = arith.muli %arg0, %mul3A_22 : i32
    %mul3A_24 = arith.constant 640 : i32
    %mul3A_25 = arith.muli %arg1, %mul3A_24 : i32
    %add3A_26 = arith.addi %mul3A_23, %mul3A_25 : i32
    %mul3A_27 = arith.constant 640 : i32
    %mul3A_28 = arith.muli %arg1, %mul3A_27 : i32
    "tpu.region"() ({
      %run_scoped3A = tpu.sem_alloc : memref<!tpu.dma_semaphore, #tpu.memory_space<semaphore_mem>>
      %dma_start3A = arith.constant 0 : i32
      %dma_start3A_29 = tpu.memref_slice %arg6[%add3A_26, %dma_start3A] : memref<20480x128xf32, #tpu.memory_space<hbm>> -> memref<640x128xf32, #tpu.memory_space<hbm>>
      %dma_start3A_30 = arith.constant 0 : i32
      %dma_start3A_31 = tpu.memref_slice %arg10[%mul3A_28, %dma_start3A_30] : memref<10240x128xf32, #tpu.memory_space<vmem_shared>> -> memref<640x128xf32, #tpu.memory_space<vmem_shared>>
      tpu.enqueue_dma source(%dma_start3A_31 : memref<640x128xf32, #tpu.memory_space<vmem_shared>>) target(%dma_start3A_29 : memref<640x128xf32, #tpu.memory_space<hbm>>) target_semaphore(%run_scoped3A : memref<!tpu.dma_semaphore, #tpu.memory_space<semaphore_mem>>)
      %dma_wait3A = arith.constant 0 : i32
      %dma_wait3A_32 = tpu.memref_slice %arg6[%add3A_26, %dma_wait3A] : memref<20480x128xf32, #tpu.memory_space<hbm>> -> memref<640x128xf32, #tpu.memory_space<hbm>>
      %dma_wait3A_33 = arith.constant 0 : i32
      %dma_wait3A_34 = tpu.memref_slice %arg10[%mul3A_28, %dma_wait3A_33] : memref<10240x128xf32, #tpu.memory_space<vmem_shared>> -> memref<640x128xf32, #tpu.memory_space<vmem_shared>>
      tpu.wait_dma2 semaphore(%run_scoped3A : memref<!tpu.dma_semaphore, #tpu.memory_space<semaphore_mem>>) src(%dma_wait3A_34 : memref<640x128xf32, #tpu.memory_space<vmem_shared>>) dst(%dma_wait3A_32 : memref<640x128xf32, #tpu.memory_space<hbm>>)
      tpu.yield
    }) : () -> ()
    return
  }
}

module attributes {stable_mosaic.version = 14 : i64} {
  func.func @_mm_bias_body(%arg0: i32, %arg1: memref<2000x128xf32, #tpu.memory_space<vmem>>, %arg2: memref<128x128xf32, #tpu.memory_space<vmem>>, %arg3: memref<1x128xf32, #tpu.memory_space<vmem>>, %arg4: memref<2000x128xf32, #tpu.memory_space<vmem>>) attributes {dimension_semantics = [#tpu.dimension_semantics<arbitrary>], iteration_bounds = array<i64: 5>, scalar_prefetch = 0 : i64, scratch_operands = 0 : i64, tpu.core_type = #tpu.core_type<tc>, window_params = [{transform_indices = @transform_0, window_bounds = array<i64: 2000, 128>}, {pipeline_mode = #tpu.pipeline_mode<synchronous>, transform_indices = @transform_1, window_bounds = array<i64: 128, 128>}, {pipeline_mode = #tpu.pipeline_mode<synchronous>, transform_indices = @transform_2, window_bounds = array<i64: 1, 128>}, {transform_indices = @transform_3, window_bounds = array<i64: 2000, 128>}]} {
    %get3A = arith.constant 0 : index
    %get3A_0 = arith.constant 0 : index
    %get3A_1 = vector.load %arg1[%get3A, %get3A_0] : memref<2000x128xf32, #tpu.memory_space<vmem>>, vector<2000x128xf32>
    %get3A_2 = arith.constant 0 : index
    %get3A_3 = arith.constant 0 : index
    %get3A_4 = vector.load %arg2[%get3A_2, %get3A_3] : memref<128x128xf32, #tpu.memory_space<vmem>>, vector<128x128xf32>
    %dot_general3A = arith.constant dense<0.000000e+00> : vector<2000x128xf32>
    %dot_general3A_5 = tpu.matmul %get3A_1, %get3A_4, %dot_general3A {dimension_numbers = #tpu.dot_dimension_numbers<[1], [0], [0], [1], [0, 0, 1, 1], [], []>, transpose_lhs_hint = false} : vector<2000x128xf32>, vector<128x128xf32>, vector<2000x128xf32> -> vector<2000x128xf32>
    %get3A_6 = arith.constant 0 : index
    %get3A_7 = arith.constant 0 : index
    %get3A_8 = vector.load %arg3[%get3A_6, %get3A_7] : memref<1x128xf32, #tpu.memory_space<vmem>>, vector<1x128xf32>
    %add3A = vector.broadcast %get3A_8 : vector<1x128xf32> to vector<2000x128xf32>
    %add3A_9 = arith.addf %dot_general3A_5, %add3A : vector<2000x128xf32>
    %swap3A = arith.constant 0 : index
    %swap3A_10 = arith.constant 0 : index
    %swap3A_11 = vector.load %arg4[%swap3A, %swap3A_10] : memref<2000x128xf32, #tpu.memory_space<vmem>>, vector<2000x128xf32>
    tpu.vector_store %arg4[%swap3A, %swap3A_10], %add3A_9 {strides = array<i32>} : memref<2000x128xf32, #tpu.memory_space<vmem>>, vector<2000x128xf32>,
    return
  }
  func.func @transform_0(%arg0: i32) -> (i32, i32) {
    %c0_i32 = arith.constant 0 : i32
    %c0_i32_0 = arith.constant 0 : i32
    return %arg0, %c0_i32 : i32, i32
  }
  func.func @transform_1(%arg0: i32) -> (i32, i32) {
    %c0_i32 = arith.constant 0 : i32
    %c0_i32_0 = arith.constant 0 : i32
    %c0_i32_1 = arith.constant 0 : i32
    return %c0_i32, %c0_i32_0 : i32, i32
  }
  func.func @transform_2(%arg0: i32) -> (i32, i32) {
    %c0_i32 = arith.constant 0 : i32
    %c0_i32_0 = arith.constant 0 : i32
    %c0_i32_1 = arith.constant 0 : i32
    return %c0_i32, %c0_i32_0 : i32, i32
  }
  func.func @transform_3(%arg0: i32) -> (i32, i32) {
    %c0_i32 = arith.constant 0 : i32
    %c0_i32_0 = arith.constant 0 : i32
    return %arg0, %c0_i32 : i32, i32
  }
}

module attributes {stable_mosaic.version = 14 : i64} {
  func.func @_mm_scale_body(%arg0: i32, %arg1: memref<2000x128xf32, #tpu.memory_space<vmem>>, %arg2: memref<128x128xf32, #tpu.memory_space<vmem>>, %arg3: memref<2000x128xf32, #tpu.memory_space<vmem>>, %arg4: memref<2000x128xf32, #tpu.memory_space<vmem>>) attributes {dimension_semantics = [#tpu.dimension_semantics<arbitrary>], iteration_bounds = array<i64: 5>, scalar_prefetch = 0 : i64, scratch_operands = 0 : i64, tpu.core_type = #tpu.core_type<tc>, window_params = [{transform_indices = @transform_0, window_bounds = array<i64: 2000, 128>}, {pipeline_mode = #tpu.pipeline_mode<synchronous>, transform_indices = @transform_1, window_bounds = array<i64: 128, 128>}, {transform_indices = @transform_2, window_bounds = array<i64: 2000, 128>}, {transform_indices = @transform_3, window_bounds = array<i64: 2000, 128>}]} {
    %get3A = arith.constant 0 : index
    %get3A_0 = arith.constant 0 : index
    %get3A_1 = vector.load %arg1[%get3A, %get3A_0] : memref<2000x128xf32, #tpu.memory_space<vmem>>, vector<2000x128xf32>
    %get3A_2 = arith.constant 0 : index
    %get3A_3 = arith.constant 0 : index
    %get3A_4 = vector.load %arg2[%get3A_2, %get3A_3] : memref<128x128xf32, #tpu.memory_space<vmem>>, vector<128x128xf32>
    %dot_general3A = arith.constant dense<0.000000e+00> : vector<2000x128xf32>
    %dot_general3A_5 = tpu.matmul %get3A_1, %get3A_4, %dot_general3A {dimension_numbers = #tpu.dot_dimension_numbers<[1], [0], [0], [1], [0, 0, 1, 1], [], []>, transpose_lhs_hint = false} : vector<2000x128xf32>, vector<128x128xf32>, vector<2000x128xf32> -> vector<2000x128xf32>
    %get3A_6 = arith.constant 0 : index
    %get3A_7 = arith.constant 0 : index
    %get3A_8 = vector.load %arg3[%get3A_6, %get3A_7] : memref<2000x128xf32, #tpu.memory_space<vmem>>, vector<2000x128xf32>
    %mul3A = arith.mulf %dot_general3A_5, %get3A_8 : vector<2000x128xf32>
    %swap3A = arith.constant 0 : index
    %swap3A_9 = arith.constant 0 : index
    %swap3A_10 = vector.load %arg4[%swap3A, %swap3A_9] : memref<2000x128xf32, #tpu.memory_space<vmem>>, vector<2000x128xf32>
    tpu.vector_store %arg4[%swap3A, %swap3A_9], %mul3A {strides = array<i32>} : memref<2000x128xf32, #tpu.memory_space<vmem>>, vector<2000x128xf32>,
    return
  }
  func.func @transform_0(%arg0: i32) -> (i32, i32) {
    %c0_i32 = arith.constant 0 : i32
    %c0_i32_0 = arith.constant 0 : i32
    return %arg0, %c0_i32 : i32, i32
  }
  func.func @transform_1(%arg0: i32) -> (i32, i32) {
    %c0_i32 = arith.constant 0 : i32
    %c0_i32_0 = arith.constant 0 : i32
    %c0_i32_1 = arith.constant 0 : i32
    return %c0_i32, %c0_i32_0 : i32, i32
  }
  func.func @transform_2(%arg0: i32) -> (i32, i32) {
    %c0_i32 = arith.constant 0 : i32
    %c0_i32_0 = arith.constant 0 : i32
    return %arg0, %c0_i32 : i32, i32
  }
  func.func @transform_3(%arg0: i32) -> (i32, i32) {
    %c0_i32 = arith.constant 0 : i32
    %c0_i32_0 = arith.constant 0 : i32
    return %arg0, %c0_i32 : i32, i32
  }
}

module attributes {stable_mosaic.version = 14 : i64} {
  func.func @_epi_body(%arg0: i32, %arg1: memref<2000x128xf32, #tpu.memory_space<vmem>>, %arg2: memref<2000x128xf32, #tpu.memory_space<vmem>>, %arg3: memref<2000x128xf32, #tpu.memory_space<vmem>>, %arg4: memref<2000x128xf32, #tpu.memory_space<vmem>>, %arg5: memref<2000x128xf32, #tpu.memory_space<vmem>>, %arg6: memref<1x128xf32, #tpu.memory_space<vmem>>, %arg7: memref<1x128xf32, #tpu.memory_space<vmem>>, %arg8: memref<1x128xf32, #tpu.memory_space<vmem>>, %arg9: memref<2000x128xf32, #tpu.memory_space<vmem>>) attributes {dimension_semantics = [#tpu.dimension_semantics<arbitrary>], iteration_bounds = array<i64: 5>, scalar_prefetch = 0 : i64, scratch_operands = 0 : i64, tpu.core_type = #tpu.core_type<tc>, window_params = [{transform_indices = @transform_0, window_bounds = array<i64: 2000, 128>}, {transform_indices = @transform_1, window_bounds = array<i64: 2000, 128>}, {transform_indices = @transform_2, window_bounds = array<i64: 2000, 128>}, {transform_indices = @transform_3, window_bounds = array<i64: 2000, 128>}, {transform_indices = @transform_4, window_bounds = array<i64: 2000, 128>}, {pipeline_mode = #tpu.pipeline_mode<synchronous>, transform_indices = @transform_5, window_bounds = array<i64: 1, 128>}, {pipeline_mode = #tpu.pipeline_mode<synchronous>, transform_indices = @transform_6, window_bounds = array<i64: 1, 128>}, {pipeline_mode = #tpu.pipeline_mode<synchronous>, transform_indices = @transform_7, window_bounds = array<i64: 1, 128>}, {transform_indices = @transform_8, window_bounds = array<i64: 2000, 128>}]} {
    %get3A = arith.constant 0 : index
    %get3A_0 = arith.constant 0 : index
    %get3A_1 = vector.load %arg5[%get3A, %get3A_0] : memref<2000x128xf32, #tpu.memory_space<vmem>>, vector<2000x128xf32>
    %get3A_2 = arith.constant 0 : index
    %get3A_3 = arith.constant 0 : index
    %get3A_4 = vector.load %arg3[%get3A_2, %get3A_3] : memref<2000x128xf32, #tpu.memory_space<vmem>>, vector<2000x128xf32>
    %get3A_5 = arith.constant 0 : index
    %get3A_6 = arith.constant 0 : index
    %get3A_7 = vector.load %arg4[%get3A_5, %get3A_6] : memref<2000x128xf32, #tpu.memory_space<vmem>>, vector<2000x128xf32>
    %add3A = arith.addf %get3A_4, %get3A_7 : vector<2000x128xf32>
    %get3A_8 = arith.constant 0 : index
    %get3A_9 = arith.constant 0 : index
    %get3A_10 = vector.load %arg2[%get3A_8, %get3A_9] : memref<2000x128xf32, #tpu.memory_space<vmem>>, vector<2000x128xf32>
    %add3A_11 = arith.addf %add3A, %get3A_10 : vector<2000x128xf32>
    %mul3A = arith.mulf %get3A_1, %add3A_11 : vector<2000x128xf32>
    %get3A_12 = arith.constant 0 : index
    %get3A_13 = arith.constant 0 : index
    %get3A_14 = vector.load %arg6[%get3A_12, %get3A_13] : memref<1x128xf32, #tpu.memory_space<vmem>>, vector<1x128xf32>
    %add3A_15 = vector.broadcast %get3A_14 : vector<1x128xf32> to vector<2000x128xf32>
    %add3A_16 = arith.addf %mul3A, %add3A_15 : vector<2000x128xf32>
    %get3A_17 = arith.constant 0 : index
    %get3A_18 = arith.constant 0 : index
    %get3A_19 = vector.load %arg1[%get3A_17, %get3A_18] : memref<2000x128xf32, #tpu.memory_space<vmem>>, vector<2000x128xf32>
    %add3A_20 = arith.addf %get3A_19, %add3A_16 : vector<2000x128xf32>
    %reduce_sum3A = arith.constant dense<0.000000e+00> : vector<2000xf32>
    %reduce_sum3A_21 = vector.multi_reduction <add>, %add3A_20, %reduce_sum3A [1] : vector<2000x128xf32> to vector<2000xf32>
    %broadcast_in_dim3A = vector.shape_cast %reduce_sum3A_21 : vector<2000xf32> to vector<2000x1xf32>
    %div3A = arith.constant 1.280000e+02 : f32
    %div3A_22 = vector.broadcast %div3A : f32 to vector<2000x1xf32>
    %div3A_23 = arith.divf %broadcast_in_dim3A, %div3A_22 : vector<2000x1xf32>
    %sub3A = vector.broadcast %div3A_23 : vector<2000x1xf32> to vector<2000x128xf32>
    %sub3A_24 = arith.subf %add3A_20, %sub3A : vector<2000x128xf32>
    %integer_pow3A = arith.mulf %sub3A_24, %sub3A_24 : vector<2000x128xf32>
    %reduce_sum3A_25 = arith.constant dense<0.000000e+00> : vector<2000xf32>
    %reduce_sum3A_26 = vector.multi_reduction <add>, %integer_pow3A, %reduce_sum3A_25 [1] : vector<2000x128xf32> to vector<2000xf32>
    %broadcast_in_dim3A_27 = vector.shape_cast %reduce_sum3A_26 : vector<2000xf32> to vector<2000x1xf32>
    %div3A_28 = arith.constant 1.280000e+02 : f32
    %div3A_29 = vector.broadcast %div3A_28 : f32 to vector<2000x1xf32>
    %div3A_30 = arith.divf %broadcast_in_dim3A_27, %div3A_29 : vector<2000x1xf32>
    %sub3A_31 = vector.broadcast %div3A_23 : vector<2000x1xf32> to vector<2000x128xf32>
    %sub3A_32 = arith.subf %add3A_20, %sub3A_31 : vector<2000x128xf32>
    %add3A_33 = arith.constant 9.99999974E-6 : f32
    %add3A_34 = vector.broadcast %add3A_33 : f32 to vector<2000x1xf32>
    %add3A_35 = arith.addf %div3A_30, %add3A_34 : vector<2000x1xf32>
    %rsqrt3A = math.rsqrt %add3A_35 : vector<2000x1xf32>
    %mul3A_36 = vector.broadcast %rsqrt3A : vector<2000x1xf32> to vector<2000x128xf32>
    %mul3A_37 = arith.mulf %sub3A_32, %mul3A_36 : vector<2000x128xf32>
    %get3A_38 = arith.constant 0 : index
    %get3A_39 = arith.constant 0 : index
    %get3A_40 = vector.load %arg7[%get3A_38, %get3A_39] : memref<1x128xf32, #tpu.memory_space<vmem>>, vector<1x128xf32>
    %mul3A_41 = vector.broadcast %get3A_40 : vector<1x128xf32> to vector<2000x128xf32>
    %mul3A_42 = arith.mulf %mul3A_37, %mul3A_41 : vector<2000x128xf32>
    %get3A_43 = arith.constant 0 : index
    %get3A_44 = arith.constant 0 : index
    %get3A_45 = vector.load %arg8[%get3A_43, %get3A_44] : memref<1x128xf32, #tpu.memory_space<vmem>>, vector<1x128xf32>
    %add3A_46 = vector.broadcast %get3A_45 : vector<1x128xf32> to vector<2000x128xf32>
    %add3A_47 = arith.addf %mul3A_42, %add3A_46 : vector<2000x128xf32>
    %max3A = arith.constant 0.000000e+00 : f32
    %max3A_48 = vector.broadcast %max3A : f32 to vector<2000x128xf32>
    %max3A_49 = arith.maximumf %add3A_47, %max3A_48 : vector<2000x128xf32>
    %swap3A = arith.constant 0 : index
    %swap3A_50 = arith.constant 0 : index
    %swap3A_51 = vector.load %arg9[%swap3A, %swap3A_50] : memref<2000x128xf32, #tpu.memory_space<vmem>>, vector<2000x128xf32>
    tpu.vector_store %arg9[%swap3A, %swap3A_50], %max3A_49 {strides = array<i32>} : memref<2000x128xf32, #tpu.memory_space<vmem>>, vector<2000x128xf32>,
    return
  }
  func.func @transform_0(%arg0: i32) -> (i32, i32) {
    %c0_i32 = arith.constant 0 : i32
    %c0_i32_0 = arith.constant 0 : i32
    return %arg0, %c0_i32 : i32, i32
  }
  func.func @transform_1(%arg0: i32) -> (i32, i32) {
    %c0_i32 = arith.constant 0 : i32
    %c0_i32_0 = arith.constant 0 : i32
    return %arg0, %c0_i32 : i32, i32
  }
  func.func @transform_2(%arg0: i32) -> (i32, i32) {
    %c0_i32 = arith.constant 0 : i32
    %c0_i32_0 = arith.constant 0 : i32
    return %arg0, %c0_i32 : i32, i32
  }
  func.func @transform_3(%arg0: i32) -> (i32, i32) {
    %c0_i32 = arith.constant 0 : i32
    %c0_i32_0 = arith.constant 0 : i32
    return %arg0, %c0_i32 : i32, i32
  }
  func.func @transform_4(%arg0: i32) -> (i32, i32) {
    %c0_i32 = arith.constant 0 : i32
    %c0_i32_0 = arith.constant 0 : i32
    return %arg0, %c0_i32 : i32, i32
  }
  func.func @transform_5(%arg0: i32) -> (i32, i32) {
    %c0_i32 = arith.constant 0 : i32
    %c0_i32_0 = arith.constant 0 : i32
    %c0_i32_1 = arith.constant 0 : i32
    return %c0_i32, %c0_i32_0 : i32, i32
  }
  func.func @transform_6(%arg0: i32) -> (i32, i32) {
    %c0_i32 = arith.constant 0 : i32
    %c0_i32_0 = arith.constant 0 : i32
    %c0_i32_1 = arith.constant 0 : i32
    return %c0_i32, %c0_i32_0 : i32, i32
  }
  func.func @transform_7(%arg0: i32) -> (i32, i32) {
    %c0_i32 = arith.constant 0 : i32
    %c0_i32_0 = arith.constant 0 : i32
    %c0_i32_1 = arith.constant 0 : i32
    return %c0_i32, %c0_i32_0 : i32, i32
  }
  func.func @transform_8(%arg0: i32) -> (i32, i32) {
    %c0_i32 = arith.constant 0 : i32
    %c0_i32_0 = arith.constant 0 : i32
    return %arg0, %c0_i32 : i32, i32
  }
}

module attributes {stable_mosaic.version = 14 : i64} {
  func.func @_mm_bias_body(%arg0: i32, %arg1: memref<2000x128xf32, #tpu.memory_space<vmem>>, %arg2: memref<128x128xf32, #tpu.memory_space<vmem>>, %arg3: memref<1x128xf32, #tpu.memory_space<vmem>>, %arg4: memref<2000x128xf32, #tpu.memory_space<vmem>>) attributes {dimension_semantics = [#tpu.dimension_semantics<arbitrary>], iteration_bounds = array<i64: 5>, scalar_prefetch = 0 : i64, scratch_operands = 0 : i64, tpu.core_type = #tpu.core_type<tc>, window_params = [{transform_indices = @transform_0, window_bounds = array<i64: 2000, 128>}, {pipeline_mode = #tpu.pipeline_mode<synchronous>, transform_indices = @transform_1, window_bounds = array<i64: 128, 128>}, {pipeline_mode = #tpu.pipeline_mode<synchronous>, transform_indices = @transform_2, window_bounds = array<i64: 1, 128>}, {transform_indices = @transform_3, window_bounds = array<i64: 2000, 128>}]} {
    %get3A = arith.constant 0 : index
    %get3A_0 = arith.constant 0 : index
    %get3A_1 = vector.load %arg1[%get3A, %get3A_0] : memref<2000x128xf32, #tpu.memory_space<vmem>>, vector<2000x128xf32>
    %get3A_2 = arith.constant 0 : index
    %get3A_3 = arith.constant 0 : index
    %get3A_4 = vector.load %arg2[%get3A_2, %get3A_3] : memref<128x128xf32, #tpu.memory_space<vmem>>, vector<128x128xf32>
    %dot_general3A = arith.constant dense<0.000000e+00> : vector<2000x128xf32>
    %dot_general3A_5 = tpu.matmul %get3A_1, %get3A_4, %dot_general3A {dimension_numbers = #tpu.dot_dimension_numbers<[1], [0], [0], [1], [0, 0, 1, 1], [], []>, transpose_lhs_hint = false} : vector<2000x128xf32>, vector<128x128xf32>, vector<2000x128xf32> -> vector<2000x128xf32>
    %get3A_6 = arith.constant 0 : index
    %get3A_7 = arith.constant 0 : index
    %get3A_8 = vector.load %arg3[%get3A_6, %get3A_7] : memref<1x128xf32, #tpu.memory_space<vmem>>, vector<1x128xf32>
    %add3A = vector.broadcast %get3A_8 : vector<1x128xf32> to vector<2000x128xf32>
    %add3A_9 = arith.addf %dot_general3A_5, %add3A : vector<2000x128xf32>
    %swap3A = arith.constant 0 : index
    %swap3A_10 = arith.constant 0 : index
    %swap3A_11 = vector.load %arg4[%swap3A, %swap3A_10] : memref<2000x128xf32, #tpu.memory_space<vmem>>, vector<2000x128xf32>
    tpu.vector_store %arg4[%swap3A, %swap3A_10], %add3A_9 {strides = array<i32>} : memref<2000x128xf32, #tpu.memory_space<vmem>>, vector<2000x128xf32>,
    return
  }
  func.func @transform_0(%arg0: i32) -> (i32, i32) {
    %c0_i32 = arith.constant 0 : i32
    %c0_i32_0 = arith.constant 0 : i32
    return %arg0, %c0_i32 : i32, i32
  }
  func.func @transform_1(%arg0: i32) -> (i32, i32) {
    %c0_i32 = arith.constant 0 : i32
    %c0_i32_0 = arith.constant 0 : i32
    %c0_i32_1 = arith.constant 0 : i32
    return %c0_i32, %c0_i32_0 : i32, i32
  }
  func.func @transform_2(%arg0: i32) -> (i32, i32) {
    %c0_i32 = arith.constant 0 : i32
    %c0_i32_0 = arith.constant 0 : i32
    %c0_i32_1 = arith.constant 0 : i32
    return %c0_i32, %c0_i32_0 : i32, i32
  }
  func.func @transform_3(%arg0: i32) -> (i32, i32) {
    %c0_i32 = arith.constant 0 : i32
    %c0_i32_0 = arith.constant 0 : i32
    return %arg0, %c0_i32 : i32, i32
  }
}

</mosaic_0001>

<sc_bundles>
// kernel: kernel.22.cloned.1.call-start
scs
__scs_entry_jumppad:
0x0: {  	(pc) =	sbr.rel $0x88, $3  }
0x1: {  	(tag) =	ssettag $0x0;
	lr =	simm.s32 $0x1  }
0x2: {  	[smem:$0x3F88] =	sst lr;
	_ =	strace $0xD0000000  }
0x3: {  	_ = 	snop  }
0x4: {  	_ = 	snop  }
0x5: {  	_ = 	snop  }
0x6: {  	_ = 	snop  }
0x7: {  	_ = 	snop  }
__scs_overlays_trampoline_lowered:
0x8: {  	[smem:$0x3F97] =	sst s0  }
0x9: {  	[smem:$0x3F98] =	sst s1  }
0xa: {  	[smem:$0x3F99] =	sst s2  }
0xb: {  	[smem:$0x3F9A] =	sst s3  }
0xc: {  	[smem:$0x3F9B] =	sst s4  }
0xd: {  	[smem:$0x3F9C] =	sst s5  }
0xe: {  	[smem:$0x3F9D] =	sst s6  }
0xf: {  	[smem:$0x3F9E] =	sst s7  }
0x10: {  	[smem:$0x3F9F] =	sst s8  }
0x11: {  	[smem:$0x3FA0] =	sst s9;
	s0 =	simm.s32 @!p0 $0x0  }
0x12: {  	s1 =	sld [smem:$0x3F86];
	s0 =	simm.s32 @p0 $0x1  }
0x13: {  	[smem:$0x3FA1] =	sst s0;
	s0 =	simm.s32 @!p1 $0x0  }
0x14: {  	s2 =	sld [smem:$0x3F85];
	s0 =	simm.s32 @p1 $0x1  }
0x15: {  	[smem:$0x3FA2] =	sst s0;
	s0 =	simm.s32 @!p2 $0x0  }
0x16: {  	s3 =	sld [smem:$0x3FDB];
	s0 =	simm.s32 @p2 $0x1  }
0x17: {  	s4 =	simm.s32 $0x1BF5;
	[smem:$0x3FA4] =	sst s0  }
0x18: {  	s0 =	sld [smem:$0x3F87];
	_ =	swait.ge [sflag:s4], $0x0  }
0x19: {  	s7 =	sld [smem:$0x3F88]  }
0x1a: {  	s8 =	sadd.s32 $0xFFFFE003, lr  }
0x1b: {  	s9 =	sadd.s32 $0xFFFFFEF7, lr;
	s5 =	simm.s32 $0xFFFFFFFF;
	p2 =	slt.u32 s8, $0xFFFFF086  }
0x1c: {  	p1 =	slt.u32 s9, $0xF7A;
	s5 =	simm.s32 @!p2 $0x0  }
0x1d: {  	s5 =	simm.s32 @p1 $0x1;
	p0 =	seq.s32 s7, s2  }
0x1e: {  	s7 =	smul.u32 @!p0 $0xF7A, s2;
	p2 =	seq.s32 @!p0 s5, $0x0  }
0x1f: {  	s9 =	smul.u32 $0xF7A, s1;
	s8 =	simm.s32 @!p0 $0x1BF5;
	p2 =	por !p2, p0  }
0x20: {  	[sflag:s8] =	ssyncset.s32 @!p0 $0xFFFFF086;
	s6 =	sadd.s32 @!p0 s3, s7;
	s7 =	simm.s32 @!p0 $0x108  }
0x21: {  	s3 =	sadd.s32 s3, s9;
	s6 =	sadd.s32 @!p0 $0x88, s6;
	s7 =	simm.s32 @p2 $0x1082  }
0x22: {  	[simem:s7], [sflag:s8] =	dma.local @!p0 [hbm:s6], $0xF7A  }
0x23: {  	s9 =	sor.u32 $0xD0000000, s2;
	s6 =	simm.s32 $0x108;
	_ =	swait.ge @!p0 [sflag:s8], $0x0  }
0x24: {  	s3 =	sadd.s32 $0x88, s3;
	s6 =	simm.s32 @!p1 $0x1082;
	[sflag:s4] =	ssyncset.s32 $0xFFFFF086  }
0x25: {  	[simem:s6], [sflag:s4] =	dma.local [hbm:s3], $0xF7A  }
0x26: {  	[smem:$0x3F88] =	sst s1;
	(tag) =	ssettag s2;
	_ =	strace s9  }
0x27: {  	s1 =	sld [smem:$0x3F98]  }
0x28: {  	s2 =	sld [smem:$0x3F99]  }
0x29: {  	s4 =	sld [smem:$0x3F9B]  }
0x2a: {  	p0 =	seq.s32 s5, $0x0;
	s5 =	sld [smem:$0x3F9C]  }
0x2b: {  	s6 =	sld [smem:$0x3F9D]  }
0x2c: {  	s7 =	sld [smem:$0x3F9E]  }
0x2d: {  	s3 =	simm.s32 $0x108;
	s8 =	sld [smem:$0x3F9F]  }
0x2e: {  	s3 =	simm.s32 @!p0 $0x1082;
	s9 =	sld [smem:$0x3FA0]  }
0x2f: {  	lr =	sadd.s32 s0, s3;
	s0 =	sld [smem:$0x3F97]  }
0x30: {  	s3 =	sld [smem:$0x3F9A]  }
0x31: {  	[smem:$0x3FA3] =	sst s10  }
0x32: {  	s10 =	sld [smem:$0x3FA1];
	_ =	sdelay $0x3  }
0x33: {  	p0 =	seq.s32 s10, $0x1;
	s10 =	sld [smem:$0x3FA3];
	_ =	sdelay $0x3  }
0x34: {  	[smem:$0x3FA3] =	sst s10  }
0x35: {  	s10 =	sld [smem:$0x3FA2];
	_ =	sdelay $0x3  }
0x36: {  	p1 =	seq.s32 s10, $0x1;
	s10 =	sld [smem:$0x3FA3];
	_ =	sdelay $0x3  }
0x37: {  	[smem:$0x3FA3] =	sst s10  }
0x38: {  	s10 =	sld [smem:$0x3FA4]  }
0x39: {  	_ = 	snop;
	(pc) =	sbr.ind lr, $3  }
0x3a: {  	_ = 	snop  }
0x3b: {  	_ = 	snop  }
0x3c: {  	p2 =	seq.s32 s10, $0x1;
	s10 =	sld [smem:$0x3FA3]  }
0x3d: {  	_ =	shalt  }
0x3e: {  	_ =	shalt  }
0x3f: {  	_ =	shalt  }
0x40: {  	_ =	shalt  }
0x41: {  	_ =	shalt  }
0x42: {  	_ =	shalt  }
0x43: {  	_ =	shalt  }
0x44: {  	_ =	shalt  }
0x45: {  	_ =	shalt  }
0x46: {  	_ =	shalt  }
0x47: {  	_ =	shalt  }
0x48: {  	_ =	shalt  }
0x49: {  	_ =	shalt  }
0x4a: {  	_ =	shalt  }
0x4b: {  	_ =	shalt  }
0x4c: {  	_ =	shalt  }
0x4d: {  	_ =	shalt  }
0x4e: {  	_ =	shalt  }
0x4f: {  	_ =	shalt  }
0x50: {  	_ =	shalt  }
0x51: {  	_ =	shalt  }
0x52: {  	_ =	shalt  }
0x53: {  	_ =	shalt  }
0x54: {  	_ =	shalt  }
0x55: {  	_ =	shalt  }
0x56: {  	_ =	shalt  }
0x57: {  	_ =	shalt  }
0x58: {  	_ =	shalt  }
0x59: {  	_ =	shalt  }
0x5a: {  	_ =	shalt  }
0x5b: {  	_ =	shalt  }
0x5c: {  	_ =	shalt  }
0x5d: {  	_ =	shalt  }
0x5e: {  	_ =	shalt  }
0x5f: {  	_ =	shalt  }
0x60: {  	_ =	shalt  }
0x61: {  	_ =	shalt  }
0x62: {  	_ =	shalt  }
0x63: {  	_ =	shalt  }
0x64: {  	_ =	shalt  }
0x65: {  	_ =	shalt  }
0x66: {  	_ =	shalt  }
0x67: {  	_ =	shalt  }
0x68: {  	_ =	shalt  }
0x69: {  	_ =	shalt  }
0x6a: {  	_ =	shalt  }
0x6b: {  	_ =	shalt  }
0x6c: {  	_ =	shalt  }
0x6d: {  	_ =	shalt  }
0x6e: {  	_ =	shalt  }
0x6f: {  	_ =	shalt  }
0x70: {  	_ =	shalt  }
0x71: {  	_ =	shalt  }
0x72: {  	_ =	shalt  }
0x73: {  	_ =	shalt  }
0x74: {  	_ =	shalt  }
0x75: {  	_ =	shalt  }
0x76: {  	_ =	shalt  }
0x77: {  	_ =	shalt  }
0x78: {  	_ =	shalt  }
0x79: {  	_ =	shalt  }
0x7a: {  	_ =	shalt  }
0x7b: {  	_ =	shalt  }
0x7c: {  	_ =	shalt  }
0x7d: {  	_ =	shalt  }
0x7e: {  	_ =	shalt  }
0x7f: {  	_ =	shalt  }
0x80: {  	_ =	shalt  }
0x81: {  	_ =	shalt  }
0x82: {  	_ =	shalt  }
0x83: {  	_ =	shalt  }
0x84: {  	_ =	shalt  }
0x85: {  	_ =	shalt  }
0x86: {  	_ =	shalt  }
0x87: {  	_ =	shalt  }
.Lfunc_end0:
.L_simem_size_0:
called_computation_lowered:
.L_overlay_start_0:
0x88: {  	s2 =	sld [smem:$0x3FD9]  }
0x89: {  	s3 =	sld [smem:$0x3FFE];
	_ =	sdelay $0x1  }
0x8a: {  	s1 =	srdreg.scid  }
0x8b: {  	s0 =	sand.u32 $0x1, s1  }
0x8c: {  	s14 =	sshll.u32 s0, $0xA;
	s2 =	sadd.s32 s3, s2  }
0x8d: {  	s2 =	sadd.s32 s2, s14  }
0x8e: {  	[smem:$0x3FAF] =	sst s2  }
0x8f: {  	_ = 	snop  }
0x90: {  	s2 =	sld [smem:$0x3FD0];
	_ =	sdelay $0x2  }
0x91: {  	s15 =	simm.s32 $0xA;
	s4 =	simm.s32 $0x10  }
0x92: {  	[smem:s4], [sflag:s15] =	dma.local [hbm:s2], $0x1  }
0x93: {  	_ =	swait.eq [sflag:s15], $0x1  }
0x94: {  	[sflag:s15] =	ssyncset.done $0x0  }
0x95: {  	s16 =	sld [smem:$0x10];
	[sflag:s15] =	ssyncadd.s32 $0xFFFFFFFF  }
0x96: {  	s17 =	sld [smem:$0x11];
	(tm) =	ssettm $0x1  }
0x97: {  	s18 =	sld [smem:$0x3FFB];
	_ =	sdelay $0x3  }
0x98: {  	_ =	strace s18  }
0x99: {  	s4 =	sld [smem:$0x3FFC];
	_ =	sdelay $0x3  }
0x9a: {  	_ =	strace s4  }
0x9b: {  	s4 =	sld [smem:$0x3FFD];
	_ =	sdelay $0x3  }
0x9c: {  	_ =	strace s4  }
0x9d: {  	_ =	strace $0x8FFFFFFF  }
0x9e: {  	s19 =	sld [smem:$0x3FDB];
	_ =	sdelay $0x1  }
0x9f: {  	s5 =	simm.s32 $_scs_section_size  }
0xa0: {  	s6 =	simm.s32 $_size__tile_overlayer_lowered;
	s7 =	simm.s32 $_tile_overlayer_lowered  }
0xa1: {  	s22 =	simm.s32 $0x1BFF;
	s21 =	sshll.u32 s7, $0x1;
	s4 =	sadd.s32 s5, s19  }
0xa2: {  	s8 =	simm.s32 $0x0;
	s20 =	sshll.u32 s6, $0x1;
	s6 =	sadd.s32 s21, s4  }
0xa3: {  	[timem:s8], [sflag:s22] =	dma.local [hbm:s6], s20  }
0xa4: {  	_ =	swait.ge [sflag:s22], s20  }
0xa5: {  	s5 =	ssub.s32 $0x0, s20;
	[sflag:s22] =	ssyncset.done $0x0  }
0xa6: {  	[sflag:s22] =	ssyncadd.s32 s5;
	_ =	sdelay $0x1  }
0xa7: {  	s23 =	simm.s32 $0x1B8B  }
0xa8: {  	_ =	swait.ge [sflag:s23], $0x1  }
0xa9: {  	[sflag:s23] =	ssyncset.done $0x0  }
0xaa: {  	s25 =	simm.s32 $0x1B8E;
	s24 =	sld [smem:$0x3FFE];
	[sflag:s23] =	ssyncadd.s32 $0xFFFFFFFF  }
0xab: {  	s26 =	simm.s32 $execute0_lowered;
	[smem:$0x3FD2] =	sst s25  }
0xac: {  	s6 =	sshll.u32 s26, $0x1;
	_ =	strace $0x80000046;
	[dreg:$0x1] =	wrdreg $0xFFFFFFFF  }
0xad: {  	s28 =	simm.s32 $_size_execute0_lowered;
	s4 =	sadd.s32 s4, s6;
	[dreg:$0x0] =	wrdreg $0x0  }
0xae: {  	s6 =	sshll.u32 s28, $0x1;
	[dreg:$0x2] =	wrdreg s4  }
0xaf: {  	[dreg:$0x3] =	wrdreg s6  }
0xb0: {  	[dreg:$0x4] =	wrdreg $0xC0  }
0xb1: {  	_ =	task [dreg:s8], $0x5FFFF  }
0xb2: {  	[dreg:$0x1] =	wrdreg $0xFFFFFFFF  }
0xb3: {  	[dreg:$0x0] =	wrdreg $0x60  }
0xb4: {  	[dreg:$0x2] =	wrdreg s17  }
0xb5: {  	[dreg:$0x3] =	wrdreg s16  }
0xb6: {  	[dreg:$0x4] =	wrdreg s24  }
0xb7: {  	[dreg:$0x5] =	wrdreg $0x40800  }
0xb8: {  	[dreg:$0x6] =	wrdreg $0x9  }
0xb9: {  	_ =	task.clear_ibuf [dreg:s8], $0x7FFFF;
	_ =	strace $0x90000046  }
0xba: {  	s29 =	simm.s32 $0x9;
	_ =	strace $0x80000048  }
0xbb: {  	_ =	swait.ge [sflag:s29], $0x1  }
0xbc: {  	[sflag:s29] =	ssyncadd.s32 $0xFFFFFFFF  }
0xbd: {  	_ =	strace $0x90000048  }
0xbe: {  	_ =	sfence  }
0xbf: {  	s30 =	sld [smem:$0x0];
	_ =	sdelay $0x2  }
0xc0: {  	s31 =	sshll.u32 s1, $0xD;
	s1 =	sshrl.u32 s1, $0x2  }
0xc1: {  	s3 =	sand.u32 $0x4000, s31;
	s1 =	sadd.s32 s1, s30  }
0xc2: {  	s0 =	sor.u32 s3, s0;
	s1 =	sshll.u32 s1, $0x11  }
0xc3: {  	s0 =	sor.u32 s1, s0  }
0xc4: {  	s0 =	sadd.s32 $0x8F2B, s0  }
0xc5: {  	[sflag:s0] =	ssyncadd.remote.s32 $0x1  }
0xc6: {  	_ =	sfence.sel $0xFFFF  }
0xc7: {  	[dreg:$0x0] =	wrdreg $0xFFFFFFFF;
	(pc) =	sbr.abs _section_cstart, $3  }
0xc8: {  	[dreg:$0x1] =	wrdreg $0xFFFFFFFF  }
0xc9: {  	_ =	task.clear_ibuf [dreg:s8], $0x2FFFF;
	_ =	strace $0x9FFFFFFF  }
0xca: {  	(tm) =	ssettm $0x7FFFFFFF  }
0xcb: {  	_ =	shalt  }
tec
execute0_lowered:
.L_overlay_start_1:
0x0: {  	(tag) =	ssettag $0x1  }
0x1: {  	s8 =	rddreg [dreg:$0x0]  }
0x2: {  	s1 =	rddreg [dreg:$0x1]  }
0x3: {  	s6 =	rddreg [dreg:$0x2]  }
0x4: {  	s3 =	rddreg [dreg:$0x3];
	s2 =	stileid.u32  }
0x5: {  	s0 =	rddreg [dreg:$0x4];
	s25 =	smul.u32 $0x2800, s2  }
0x6: {  	s5 =	srdreg.scid;
	s4 =	simm.s32 $0x0;
	s11 =	smul.u32 $0x50000, s2  }
0x7: {  	s7 =	sand.u32 $0x1, s5;
	[smem:$0x7FF] =	sst s4;
	s13 =	smul.u32 $0x9E0, s2  }
0x8: {  	s5 =	sadd.s32 $0x31A00, s6;
	s30 =	sshll.u32 s2, $0x6;
	s9 =	smul.u32 $0x28000, s7  }
0x9: {  	_ =	strace $0x80000047;
	s10 =	ssub.s32 $0x2, s7;
	s29 =	smul.u32 $0x9E00, s7  }
0xa: {  	s26 =	sshrl.u32 s10, $0x1;
	s28 =	sshrl.u32 s11, $0x2;
	s11 =	simm.s32 $0x1  }
0xb: {  	s9 =	sadd.s32 s25, s9;
	s10 =	ssub.s32 s10, s26;
	s12 =	sadd.s32 s28, s3  }
0xc: {  	s31 =	sadd.s32 s29, s8;
	s9 =	sadd.s32 s9, s6;
	s6 =	sor.u32 $0x1C01, s30  }
0xd: {  	s8 =	smax.u32 s10, $0x1;
	s10 =	sshrl.u32 s12, $0x3;
	s12 =	simm.s32 $0x80  }
0xe: {  	s7 =	sadd.s32 $0x34200, s9;
	s9 =	sadd.s32 s13, s31;
	s13 =	simm.s32 $0x0  }
.LBB2_1:
0xf: {  	[spmem:s10], [sflag:s6] =	dma.local [hbm:s5], $0x2800  }
0x10: {  	_ =	swait.ge [sflag:s11], $0x2800  }
0x11: {  	[sflag:s11] =	ssyncset.done $0x0  }
0x12: {  	[sflag:s11] =	ssyncadd.s32 $0xFFFFD800  }
0x13: {  	[tilespmem:s12], [sflag:$0x1] =	stream.linear.gather [hbm4b:s1+s4], $0x4000, $0x38;
	[tilespmem:$0x18080] =	vst v63  }
0x14: {  	_ =	swait.ge [sflag:s11], $0x4000  }
0x15: {  	[sflag:s11] =	ssyncset.done $0x0  }
0x16: {  	[sflag:s11] =	ssyncadd.s32 $0xFFFFC000  }
0x17: {  	s14 =	sadd.s32 $0x0, s9;
	[bflag:$0x0] =	sbarrier.arrive $0xFFFF  }
0x18: {  	[tilespmem:s4], [sflag:$0x1] =	stream.linear.gather [hbm4b:s14+s4], $0x80, $0x38;
	[tilespmem:$0x18080] =	vst v63  }
0x19: {  	_ =	swait.ge [sflag:s11], $0x80  }
0x1a: {  	[sflag:s11] =	ssyncset.done $0x0  }
0x1b: {  	[sflag:s11] =	ssyncadd.s32 $0xFFFFFF80  }
0x1c: {  	[spmem:s3] =	stream.indirect.scatter.add.f32 [tilespmem:s12], [sflag:$0x1], $0x80, s4, s12, $0xb8;
	[tilespmem:$0x18080] =	vst v63  }
0x1d: {  	_ =	swait.ge [sflag:s11], $0x4000  }
0x1e: {  	s15 =	simm.s32 $0x20;
	s14 =	simm.s32 $0x10;
	[sflag:s11] =	ssyncset.done $0x0  }
.LBB2_2:
0x1f: {  	s16 =	sadd.s32 s14, s9  }
0x20: {  	[sflag:s11] =	ssyncadd.s32 $0xFFFFC000;
	s14 =	smov.u32 s15;
	s17 =	sadd.s32 $0x10, s15  }
0x21: {  	[tilespmem:s4], [sflag:$0x1] =	stream.linear.gather [hbm4b:s16+s4], $0x80, $0x38;
	[tilespmem:$0x18080] =	vst v63  }
0x22: {  	p0 =	sne.s32 s15, $0x9D0;
	_ =	swait.ge [sflag:s11], $0x80  }
.Ltmp0:
0x23: {  	[sflag:s11] =	ssyncset.done $0x0;
	(pc) =	sbr.rel @p0 .LBB2_2-.Ltmp0, $4  }
0x24: {  	[sflag:s11] =	ssyncadd.s32 $0xFFFFFF80  }
0x25: {  	[spmem:s3] =	stream.indirect.scatter.add.f32 [tilespmem:s12], [sflag:$0x1], $0x80, s4, s12, $0xb8;
	[tilespmem:$0x18080] =	vst v63  }
0x26: {  	_ =	swait.ge [sflag:s11], $0x4000  }
0x27: {  	s15 =	smov.u32 s17;
	[sflag:s11] =	ssyncset.done $0x0  }
0x28: {  	s14 =	sadd.s32 s14, s9;
	[sflag:s11] =	ssyncadd.s32 $0xFFFFC000  }
0x29: {  	[tilespmem:s4], [sflag:$0x1] =	stream.linear.gather [hbm4b:s14+s4], $0x80, $0x38;
	[tilespmem:$0x18080] =	vst v63  }
0x2a: {  	_ =	swait.ge [sflag:s11], $0x80  }
0x2b: {  	[sflag:s11] =	ssyncset.done $0x0  }
0x2c: {  	[sflag:s11] =	ssyncadd.s32 $0xFFFFFF80  }
0x2d: {  	[spmem:s3] =	stream.indirect.scatter.add.f32 [tilespmem:s12], [sflag:$0x1], $0x80, s4, s12, $0xb8;
	[tilespmem:$0x18080] =	vst v63  }
0x2e: {  	_ =	swait.ge [sflag:s11], $0x4000  }
0x2f: {  	s13 =	sadd.s32 $0x1, s13;
	[sflag:s11] =	ssyncset.done $0x0  }
0x30: {  	p0 =	sne.s32 s13, s8;
	[sflag:s11] =	ssyncadd.s32 $0xFFFFC000  }
.Ltmp1:
0x31: {  	[bflag:$0x0] =	sbarrier.arrive $0xFFFF;
	(pc) =	sbr.rel @p0 .LBB2_1-.Ltmp1, $4  }
0x32: {  	[hbm:s7], [sflag:s6] =	dma.local [spmem:s10], $0x2800  }
0x33: {  	_ =	swait.ge [sflag:s11], $0x2800  }
0x34: {  	[sflag:s11] =	ssyncset.done $0x0  }
0x35: {  	[sflag:s11] =	ssyncadd.s32 $0xFFFFD800  }
0x36: {  	_ =	sfence.sel $0x180000  }
0x37: {  	[bflag:$0x0] =	sbarrier.arrive $0xFFFF  }
0x38: {  	p0 =	sne.s32 s2, $0x0;
	_ =	strace $0x90000047  }
0x39: {  	s0 =	sadd.s32 @!p0 $0x100000, s0;
	[bflag:$0x2] =	sbarrier.arrive $0xFFFF  }
0x3a: {  	[sflag:s0] =	ssyncadd.tile.s32 @!p0 $0x1;
	_ =	shalt  }
.Lfunc_end2:
_tile_overlayer_lowered:
.L_overlay_start_2:
0x3b: {  	(tag) =	ssettag $0x2  }
0x3c: {  	s0 =	rddreg [dreg:$0x0];
	s2 =	stileid.u32  }
0x3d: {  	s1 =	rddreg [dreg:$0x1];
	p0 =	sne.s32 s2, $0x0  }
0x3e: {  	s3 =	rddreg [dreg:$0x2];
	[bflag:$0x3] =	sbarrier.arrive $0xFFFF;
	s2 =	simm.s32 @!p0 $0x1C01  }
0x3f: {  	[timem:s3], [sflag:s2] =	dma.local @!p0 [hbm:s0], s1  }
0x40: {  	s0 =	simm.s32 @!p0 $0x1  }
0x41: {  	_ =	swait.ge @!p0 [sflag:s0], s1  }
0x42: {  	s1 =	ssub.s32 @!p0 $0x0, s1;
	[sflag:s0] =	ssyncset.done @!p0 $0x0  }
0x43: {  	[sflag:s0] =	ssyncadd.s32 @!p0 s1  }
0x44: {  	[bflag:$0x3] =	sbarrier.arrive $0xFFFF  }
0x45: {  	_ =	shalt  }

// kernel: kernel.25.cloned.1.call-start
scs
__scs_entry_jumppad:
0x0: {  	(pc) =	sbr.rel $0x88, $3  }
0x1: {  	(tag) =	ssettag $0x0;
	lr =	simm.s32 $0x1  }
0x2: {  	[smem:$0x3F88] =	sst lr;
	_ =	strace $0xD0000000  }
0x3: {  	_ = 	snop  }
0x4: {  	_ = 	snop  }
0x5: {  	_ = 	snop  }
0x6: {  	_ = 	snop  }
0x7: {  	_ = 	snop  }
__scs_overlays_trampoline_lowered:
0x8: {  	[smem:$0x3F97] =	sst s0  }
0x9: {  	[smem:$0x3F98] =	sst s1  }
0xa: {  	[smem:$0x3F99] =	sst s2  }
0xb: {  	[smem:$0x3F9A] =	sst s3  }
0xc: {  	[smem:$0x3F9B] =	sst s4  }
0xd: {  	[smem:$0x3F9C] =	sst s5  }
0xe: {  	[smem:$0x3F9D] =	sst s6  }
0xf: {  	[smem:$0x3F9E] =	sst s7  }
0x10: {  	[smem:$0x3F9F] =	sst s8  }
0x11: {  	[smem:$0x3FA0] =	sst s9;
	s0 =	simm.s32 @!p0 $0x0  }
0x12: {  	s1 =	sld [smem:$0x3F86];
	s0 =	simm.s32 @p0 $0x1  }
0x13: {  	[smem:$0x3FA1] =	sst s0;
	s0 =	simm.s32 @!p1 $0x0  }
0x14: {  	s2 =	sld [smem:$0x3F85];
	s0 =	simm.s32 @p1 $0x1  }
0x15: {  	[smem:$0x3FA2] =	sst s0;
	s0 =	simm.s32 @!p2 $0x0  }
0x16: {  	s3 =	sld [smem:$0x3FDB];
	s0 =	simm.s32 @p2 $0x1  }
0x17: {  	s4 =	simm.s32 $0x1BF5;
	[smem:$0x3FA4] =	sst s0  }
0x18: {  	s0 =	sld [smem:$0x3F87];
	_ =	swait.ge [sflag:s4], $0x0  }
0x19: {  	s7 =	sld [smem:$0x3F88]  }
0x1a: {  	s8 =	sadd.s32 $0xFFFFE003, lr  }
0x1b: {  	s9 =	sadd.s32 $0xFFFFFEF7, lr;
	s5 =	simm.s32 $0xFFFFFFFF;
	p2 =	slt.u32 s8, $0xFFFFF086  }
0x1c: {  	p1 =	slt.u32 s9, $0xF7A;
	s5 =	simm.s32 @!p2 $0x0  }
0x1d: {  	s5 =	simm.s32 @p1 $0x1;
	p0 =	seq.s32 s7, s2  }
0x1e: {  	s7 =	smul.u32 @!p0 $0xF7A, s2;
	p2 =	seq.s32 @!p0 s5, $0x0  }
0x1f: {  	s9 =	smul.u32 $0xF7A, s1;
	s8 =	simm.s32 @!p0 $0x1BF5;
	p2 =	por !p2, p0  }
0x20: {  	[sflag:s8] =	ssyncset.s32 @!p0 $0xFFFFF086;
	s6 =	sadd.s32 @!p0 s3, s7;
	s7 =	simm.s32 @!p0 $0x108  }
0x21: {  	s3 =	sadd.s32 s3, s9;
	s6 =	sadd.s32 @!p0 $0x88, s6;
	s7 =	simm.s32 @p2 $0x1082  }
0x22: {  	[simem:s7], [sflag:s8] =	dma.local @!p0 [hbm:s6], $0xF7A  }
0x23: {  	s9 =	sor.u32 $0xD0000000, s2;
	s6 =	simm.s32 $0x108;
	_ =	swait.ge @!p0 [sflag:s8], $0x0  }
0x24: {  	s3 =	sadd.s32 $0x88, s3;
	s6 =	simm.s32 @!p1 $0x1082;
	[sflag:s4] =	ssyncset.s32 $0xFFFFF086  }
0x25: {  	[simem:s6], [sflag:s4] =	dma.local [hbm:s3], $0xF7A  }
0x26: {  	[smem:$0x3F88] =	sst s1;
	(tag) =	ssettag s2;
	_ =	strace s9  }
0x27: {  	s1 =	sld [smem:$0x3F98]  }
0x28: {  	s2 =	sld [smem:$0x3F99]  }
0x29: {  	s4 =	sld [smem:$0x3F9B]  }
0x2a: {  	p0 =	seq.s32 s5, $0x0;
	s5 =	sld [smem:$0x3F9C]  }
0x2b: {  	s6 =	sld [smem:$0x3F9D]  }
0x2c: {  	s7 =	sld [smem:$0x3F9E]  }
0x2d: {  	s3 =	simm.s32 $0x108;
	s8 =	sld [smem:$0x3F9F]  }
0x2e: {  	s3 =	simm.s32 @!p0 $0x1082;
	s9 =	sld [smem:$0x3FA0]  }
0x2f: {  	lr =	sadd.s32 s0, s3;
	s0 =	sld [smem:$0x3F97]  }
0x30: {  	s3 =	sld [smem:$0x3F9A]  }
0x31: {  	[smem:$0x3FA3] =	sst s10  }
0x32: {  	s10 =	sld [smem:$0x3FA1];
	_ =	sdelay $0x3  }
0x33: {  	p0 =	seq.s32 s10, $0x1;
	s10 =	sld [smem:$0x3FA3];
	_ =	sdelay $0x3  }
0x34: {  	[smem:$0x3FA3] =	sst s10  }
0x35: {  	s10 =	sld [smem:$0x3FA2];
	_ =	sdelay $0x3  }
0x36: {  	p1 =	seq.s32 s10, $0x1;
	s10 =	sld [smem:$0x3FA3];
	_ =	sdelay $0x3  }
0x37: {  	[smem:$0x3FA3] =	sst s10  }
0x38: {  	s10 =	sld [smem:$0x3FA4]  }
0x39: {  	_ = 	snop;
	(pc) =	sbr.ind lr, $3  }
0x3a: {  	_ = 	snop  }
0x3b: {  	_ = 	snop  }
0x3c: {  	p2 =	seq.s32 s10, $0x1;
	s10 =	sld [smem:$0x3FA3]  }
0x3d: {  	_ =	shalt  }
0x3e: {  	_ =	shalt  }
0x3f: {  	_ =	shalt  }
0x40: {  	_ =	shalt  }
0x41: {  	_ =	shalt  }
0x42: {  	_ =	shalt  }
0x43: {  	_ =	shalt  }
0x44: {  	_ =	shalt  }
0x45: {  	_ =	shalt  }
0x46: {  	_ =	shalt  }
0x47: {  	_ =	shalt  }
0x48: {  	_ =	shalt  }
0x49: {  	_ =	shalt  }
0x4a: {  	_ =	shalt  }
0x4b: {  	_ =	shalt  }
0x4c: {  	_ =	shalt  }
0x4d: {  	_ =	shalt  }
0x4e: {  	_ =	shalt  }
0x4f: {  	_ =	shalt  }
0x50: {  	_ =	shalt  }
0x51: {  	_ =	shalt  }
0x52: {  	_ =	shalt  }
0x53: {  	_ =	shalt  }
0x54: {  	_ =	shalt  }
0x55: {  	_ =	shalt  }
0x56: {  	_ =	shalt  }
0x57: {  	_ =	shalt  }
0x58: {  	_ =	shalt  }
0x59: {  	_ =	shalt  }
0x5a: {  	_ =	shalt  }
0x5b: {  	_ =	shalt  }
0x5c: {  	_ =	shalt  }
0x5d: {  	_ =	shalt  }
0x5e: {  	_ =	shalt  }
0x5f: {  	_ =	shalt  }
0x60: {  	_ =	shalt  }
0x61: {  	_ =	shalt  }
0x62: {  	_ =	shalt  }
0x63: {  	_ =	shalt  }
0x64: {  	_ =	shalt  }
0x65: {  	_ =	shalt  }
0x66: {  	_ =	shalt  }
0x67: {  	_ =	shalt  }
0x68: {  	_ =	shalt  }
0x69: {  	_ =	shalt  }
0x6a: {  	_ =	shalt  }
0x6b: {  	_ =	shalt  }
0x6c: {  	_ =	shalt  }
0x6d: {  	_ =	shalt  }
0x6e: {  	_ =	shalt  }
0x6f: {  	_ =	shalt  }
0x70: {  	_ =	shalt  }
0x71: {  	_ =	shalt  }
0x72: {  	_ =	shalt  }
0x73: {  	_ =	shalt  }
0x74: {  	_ =	shalt  }
0x75: {  	_ =	shalt  }
0x76: {  	_ =	shalt  }
0x77: {  	_ =	shalt  }
0x78: {  	_ =	shalt  }
0x79: {  	_ =	shalt  }
0x7a: {  	_ =	shalt  }
0x7b: {  	_ =	shalt  }
0x7c: {  	_ =	shalt  }
0x7d: {  	_ =	shalt  }
0x7e: {  	_ =	shalt  }
0x7f: {  	_ =	shalt  }
0x80: {  	_ =	shalt  }
0x81: {  	_ =	shalt  }
0x82: {  	_ =	shalt  }
0x83: {  	_ =	shalt  }
0x84: {  	_ =	shalt  }
0x85: {  	_ =	shalt  }
0x86: {  	_ =	shalt  }
0x87: {  	_ =	shalt  }
.Lfunc_end0:
.L_simem_size_0:
called_computation.1_lowered:
.L_overlay_start_0:
0x88: {  	s2 =	sld [smem:$0x3FD9]  }
0x89: {  	s3 =	sld [smem:$0x3FFE];
	_ =	sdelay $0x1  }
0x8a: {  	s1 =	srdreg.scid  }
0x8b: {  	s0 =	sand.u32 $0x1, s1  }
0x8c: {  	s14 =	sshll.u32 s0, $0xA;
	s2 =	sadd.s32 s3, s2  }
0x8d: {  	s2 =	sadd.s32 s2, s14  }
0x8e: {  	[smem:$0x3FAF] =	sst s2  }
0x8f: {  	_ = 	snop  }
0x90: {  	s2 =	sld [smem:$0x3FD0];
	_ =	sdelay $0x2  }
0x91: {  	s15 =	simm.s32 $0xA;
	s4 =	simm.s32 $0x10  }
0x92: {  	[smem:s4], [sflag:s15] =	dma.local [hbm:s2], $0x1  }
0x93: {  	_ =	swait.eq [sflag:s15], $0x1  }
0x94: {  	[sflag:s15] =	ssyncset.done $0x0  }
0x95: {  	[sflag:s15] =	ssyncadd.s32 $0xFFFFFFFF  }
0x96: {  	s16 =	sld [smem:$0x11];
	(tm) =	ssettm $0x1  }
0x97: {  	s17 =	sld [smem:$0x3FFB];
	_ =	sdelay $0x3  }
0x98: {  	_ =	strace s17  }
0x99: {  	s3 =	sld [smem:$0x3FFC];
	_ =	sdelay $0x3  }
0x9a: {  	_ =	strace s3  }
0x9b: {  	s3 =	sld [smem:$0x3FFD];
	_ =	sdelay $0x3  }
0x9c: {  	_ =	strace s3  }
0x9d: {  	_ =	strace $0x8FFFFFFF  }
0x9e: {  	s18 =	sld [smem:$0x3FDB];
	_ =	sdelay $0x1  }
0x9f: {  	s19 =	simm.s32 $_scs_section_size  }
0xa0: {  	s5 =	simm.s32 $_size__tile_overlayer_lowered;
	s6 =	simm.s32 $_tile_overlayer_lowered  }
0xa1: {  	s22 =	simm.s32 $0x1BFF;
	s21 =	sshll.u32 s6, $0x1;
	s3 =	sadd.s32 s19, s18  }
0xa2: {  	s7 =	simm.s32 $0x0;
	s20 =	sshll.u32 s5, $0x1;
	s5 =	sadd.s32 s21, s3  }
0xa3: {  	[timem:s7], [sflag:s22] =	dma.local [hbm:s5], s20  }
0xa4: {  	_ =	swait.ge [sflag:s22], s20  }
0xa5: {  	s4 =	ssub.s32 $0x0, s20;
	[sflag:s22] =	ssyncset.done $0x0  }
0xa6: {  	[sflag:s22] =	ssyncadd.s32 s4;
	_ =	sdelay $0x1  }
0xa7: {  	s23 =	simm.s32 $0x1B8B  }
0xa8: {  	_ =	swait.ge [sflag:s23], $0x1  }
0xa9: {  	[sflag:s23] =	ssyncset.done $0x0  }
0xaa: {  	s25 =	simm.s32 $0x1B8E;
	s24 =	sld [smem:$0x3FFE];
	[sflag:s23] =	ssyncadd.s32 $0xFFFFFFFF  }
0xab: {  	s26 =	simm.s32 $execute0_lowered;
	[smem:$0x3FD2] =	sst s25  }
0xac: {  	s5 =	sshll.u32 s26, $0x1;
	_ =	strace $0x80000049;
	[dreg:$0x1] =	wrdreg $0xFFFFFFFF  }
0xad: {  	s28 =	simm.s32 $_size_execute0_lowered;
	s3 =	sadd.s32 s3, s5;
	[dreg:$0x0] =	wrdreg $0x0  }
0xae: {  	s5 =	sshll.u32 s28, $0x1;
	[dreg:$0x2] =	wrdreg s3  }
0xaf: {  	[dreg:$0x3] =	wrdreg s5  }
0xb0: {  	[dreg:$0x4] =	wrdreg $0xC0  }
0xb1: {  	_ =	task [dreg:s7], $0x5FFFF  }
0xb2: {  	[dreg:$0x1] =	wrdreg $0xFFFFFFFF  }
0xb3: {  	[dreg:$0x0] =	wrdreg $0x60  }
0xb4: {  	[dreg:$0x2] =	wrdreg s16  }
0xb5: {  	[dreg:$0x3] =	wrdreg s24  }
0xb6: {  	[dreg:$0x4] =	wrdreg $0x41000  }
0xb7: {  	[dreg:$0x5] =	wrdreg $0x9  }
0xb8: {  	_ =	task.clear_ibuf [dreg:s7], $0x6FFFF;
	_ =	strace $0x90000049  }
0xb9: {  	s29 =	simm.s32 $0x9;
	_ =	strace $0x8000004B  }
0xba: {  	_ =	swait.ge [sflag:s29], $0x1  }
0xbb: {  	[sflag:s29] =	ssyncadd.s32 $0xFFFFFFFF  }
0xbc: {  	_ =	strace $0x9000004B  }
0xbd: {  	_ =	sfence  }
0xbe: {  	s30 =	sld [smem:$0x0];
	_ =	sdelay $0x2  }
0xbf: {  	s31 =	sshll.u32 s1, $0xD;
	s1 =	sshrl.u32 s1, $0x2  }
0xc0: {  	s3 =	sand.u32 $0x4000, s31;
	s1 =	sadd.s32 s1, s30  }
0xc1: {  	s0 =	sor.u32 s3, s0;
	s1 =	sshll.u32 s1, $0x11  }
0xc2: {  	s0 =	sor.u32 s1, s0  }
0xc3: {  	s0 =	sadd.s32 $0x8F2B, s0  }
0xc4: {  	[sflag:s0] =	ssyncadd.remote.s32 $0x1  }
0xc5: {  	_ =	sfence.sel $0xFFFF  }
0xc6: {  	[dreg:$0x0] =	wrdreg $0xFFFFFFFF;
	(pc) =	sbr.abs _section_cstart, $3  }
0xc7: {  	[dreg:$0x1] =	wrdreg $0xFFFFFFFF  }
0xc8: {  	_ =	task.clear_ibuf [dreg:s7], $0x2FFFF;
	_ =	strace $0x9FFFFFFF  }
0xc9: {  	(tm) =	ssettm $0x7FFFFFFF  }
tec
execute0_lowered:
.L_overlay_start_1:
0x0: {  	(tag) =	ssettag $0x1  }
0x1: {  	s2 =	rddreg [dreg:$0x0]  }
0x2: {  	s6 =	rddreg [dreg:$0x1]  }
0x3: {  	s3 =	rddreg [dreg:$0x2]  }
0x4: {  	s0 =	rddreg [dreg:$0x3]  }
0x5: {  	s1 =	stileid.u32;
	s5 =	srdreg.scid  }
0x6: {  	s4 =	simm.s32 $0x0;
	s13 =	simm.s32 $0x2;
	s7 =	smul.u32 $0x2E, s1  }
0x7: {  	s14 =	simm.s32 $0x80;
	s15 =	simm.s32 $0x100;
	s8 =	smul.u32 $0x70, s1  }
0x8: {  	s16 =	simm.s32 $0x1;
	s17 =	simm.s32 $0x0;
	s26 =	smul.u32 $0x2800, s1  }
0x9: {  	s5 =	sand.u32 $0x1, s5;
	[smem:$0x7FF] =	sst s4;
	s10 =	smul.u32 $0x50000, s1  }
0xa: {  	s31 =	sshll.u32 s1, $0x6;
	p0 =	seq.s32 s5, $0x0;
	_ =	strace $0x8000004A  }
0xb: {  	s9 =	smul.u32 $0x28000, s5;
	s28 =	ssub.s32 $0x2, s5;
	s5 =	sadd.s32 $0x31A00, s6  }
0xc: {  	s7 =	sadd.s32 $0x700, s7;
	s29 =	sshrl.u32 s28, $0x1;
	s30 =	sshrl.u32 s10, $0x2  }
0xd: {  	s7 =	smov.u32 @p0 s8;
	s8 =	sadd.s32 s26, s9;
	s9 =	ssub.s32 s28, s29  }
0xe: {  	s12 =	sadd.s32 s30, s3;
	s7 =	sshll.u32 s7, $0x4;
	s8 =	sadd.s32 s8, s6  }
0xf: {  	s9 =	smax.u32 s9, $0x1;
	s12 =	sshrl.u32 s12, $0x3;
	s11 =	sadd.s32 s7, s6  }
0x10: {  	s6 =	simm.s32 $0x70;
	s7 =	sor.u32 $0x1C02, s31;
	s8 =	sadd.s32 $0x5B400, s8  }
0x11: {  	s6 =	simm.s32 @!p0 $0x2E;
	s10 =	sadd.s32 $0x27C00, s11;
	s11 =	sadd.s32 $0x1DE00, s11  }
.LBB2_1:
0x12: {  	[spmem:s12], [sflag:s7] =	dma.local [hbm:s5], $0x2800  }
0x13: {  	_ =	swait.ge [sflag:s13], $0x2800  }
0x14: {  	[sflag:s13] =	ssyncset.done $0x0  }
0x15: {  	[sflag:s13] =	ssyncadd.s32 $0xFFFFD800  }
0x16: {  	[bflag:$0x0] =	sbarrier.arrive $0xFFFF  }
0x17: {  	[tilespmem:s4], [sflag:$0x2] =	stream.linear.gather [hbm4b:s11+s4], $0x80, $0x38;
	[tilespmem:$0x18100] =	vst v63  }
0x18: {  	_ =	swait.ge [sflag:s13], $0x80  }
0x19: {  	[sflag:s13] =	ssyncset.done $0x0  }
0x1a: {  	[sflag:s13] =	ssyncadd.s32 $0xFFFFFF80  }
0x1b: {  	[tilespmem:s14], [sflag:$0x2] =	stream.linear.gather [hbm4b:s10+s4], $0x80, $0x38;
	[tilespmem:$0x18100] =	vst v63  }
0x1c: {  	_ =	swait.ge [sflag:s13], $0x80  }
0x1d: {  	[sflag:s13] =	ssyncset.done $0x0  }
0x1e: {  	[sflag:s13] =	ssyncadd.s32 $0xFFFFFF80  }
0x1f: {  	[tilespmem:s15], [sflag:$0x1] =	stream.indirect.gather [hbm4b:s2+s14], $0x80, s4, s14, $0xb8;
	[tilespmem:$0x18100] =	vst v63  }
0x20: {  	p0 =	sne.s32 s6, $0x1;
	_ =	swait.ge [sflag:s16], $0x4000  }
.Ltmp0:
0x21: {  	[sflag:s16] =	ssyncset.done $0x0;
	(pc) =	sbr.rel @!p0 .LBB2_3-.Ltmp0, $4  }
0x22: {  	[sflag:s16] =	ssyncadd.s32 $0xFFFFC000  }
0x23: {  	[spmem:s3] =	stream.indirect.scatter.add.f32 [tilespmem:s15], [sflag:$0x2], $0x80, s14, s14, $0xb8;
	[tilespmem:$0x18100] =	vst v63  }
0x24: {  	s18 =	sadd.s32 $0xFFFFFFFF, s6;
	_ =	swait.ge [sflag:s13], $0x4000  }
0x25: {  	s19 =	smov.u32 s10;
	s20 =	smov.u32 s11;
	[sflag:s13] =	ssyncset.done $0x0  }
.LBB2_2:
0x26: {  	[sflag:s13] =	ssyncadd.s32 $0xFFFFC000;
	s19 =	sadd.s32 $0x10, s19;
	s20 =	sadd.s32 $0x10, s20  }
0x27: {  	[tilespmem:s4], [sflag:$0x2] =	stream.linear.gather [hbm4b:s20+s4], $0x80, $0x38;
	[tilespmem:$0x18100] =	vst v63  }
0x28: {  	p0 =	sne.s32 s18, $0x1;
	s18 =	sadd.s32 $0xFFFFFFFF, s18;
	_ =	swait.ge [sflag:s13], $0x80  }
0x29: {  	[sflag:s13] =	ssyncset.done $0x0  }
0x2a: {  	[sflag:s13] =	ssyncadd.s32 $0xFFFFFF80  }
0x2b: {  	[tilespmem:s14], [sflag:$0x2] =	stream.linear.gather [hbm4b:s19+s4], $0x80, $0x38;
	[tilespmem:$0x18100] =	vst v63  }
0x2c: {  	_ =	swait.ge [sflag:s13], $0x80  }
0x2d: {  	[sflag:s13] =	ssyncset.done $0x0  }
0x2e: {  	[sflag:s13] =	ssyncadd.s32 $0xFFFFFF80  }
0x2f: {  	[tilespmem:s15], [sflag:$0x1] =	stream.indirect.gather [hbm4b:s2+s14], $0x80, s4, s14, $0xb8;
	[tilespmem:$0x18100] =	vst v63  }
0x30: {  	_ =	swait.ge [sflag:s16], $0x4000  }
.Ltmp1:
0x31: {  	[sflag:s16] =	ssyncset.done $0x0;
	(pc) =	sbr.rel @p0 .LBB2_2-.Ltmp1, $4  }
0x32: {  	[sflag:s16] =	ssyncadd.s32 $0xFFFFC000  }
0x33: {  	[spmem:s3] =	stream.indirect.scatter.add.f32 [tilespmem:s15], [sflag:$0x2], $0x80, s14, s14, $0xb8;
	[tilespmem:$0x18100] =	vst v63  }
0x34: {  	_ =	swait.ge [sflag:s13], $0x4000  }
0x35: {  	[sflag:s13] =	ssyncset.done $0x0  }
.LBB2_3:
0x36: {  	s17 =	sadd.s32 $0x1, s17  }
0x37: {  	[sflag:s13] =	ssyncadd.s32 $0xFFFFC000;
	p0 =	sne.s32 s17, s9  }
.Ltmp2:
0x38: {  	[bflag:$0x0] =	sbarrier.arrive $0xFFFF;
	(pc) =	sbr.rel @p0 .LBB2_1-.Ltmp2, $4  }
0x39: {  	[hbm:s8], [sflag:s7] =	dma.local [spmem:s12], $0x2800  }
0x3a: {  	_ =	swait.ge [sflag:s13], $0x2800  }
0x3b: {  	[sflag:s13] =	ssyncset.done $0x0  }
0x3c: {  	[sflag:s13] =	ssyncadd.s32 $0xFFFFD800  }
0x3d: {  	_ =	sfence.sel $0x180000  }
0x3e: {  	[bflag:$0x0] =	sbarrier.arrive $0xFFFF  }
0x3f: {  	p0 =	sne.s32 s1, $0x0;
	_ =	strace $0x9000004A  }
0x40: {  	s0 =	sadd.s32 @!p0 $0x100000, s0;
	[bflag:$0x2] =	sbarrier.arrive $0xFFFF  }
0x41: {  	[sflag:s0] =	ssyncadd.tile.s32 @!p0 $0x1;
	_ =	shalt  }
.Lfunc_end2:
_tile_overlayer_lowered:
.L_overlay_start_2:
0x42: {  	(tag) =	ssettag $0x2  }
0x43: {  	s0 =	rddreg [dreg:$0x0];
	s2 =	stileid.u32  }
0x44: {  	s1 =	rddreg [dreg:$0x1];
	p0 =	sne.s32 s2, $0x0  }
0x45: {  	s3 =	rddreg [dreg:$0x2];
	[bflag:$0x3] =	sbarrier.arrive $0xFFFF;
	s2 =	simm.s32 @!p0 $0x1C02  }
0x46: {  	[timem:s3], [sflag:s2] =	dma.local @!p0 [hbm:s0], s1  }
0x47: {  	s0 =	simm.s32 @!p0 $0x2  }
0x48: {  	_ =	swait.ge @!p0 [sflag:s0], s1  }
0x49: {  	s1 =	ssub.s32 @!p0 $0x0, s1;
	[sflag:s0] =	ssyncset.done @!p0 $0x0  }
0x4a: {  	[sflag:s0] =	ssyncadd.s32 @!p0 s1  }
0x4b: {  	[bflag:$0x3] =	sbarrier.arrive $0xFFFF  }
0x4c: {  	_ =	shalt  }

// kernel: kernel.28.cloned.1.call-start
scs
__scs_entry_jumppad:
0x0: {  	(pc) =	sbr.rel $0x88, $3  }
0x1: {  	(tag) =	ssettag $0x0;
	lr =	simm.s32 $0x1  }
0x2: {  	[smem:$0x3F88] =	sst lr;
	_ =	strace $0xD0000000  }
0x3: {  	_ = 	snop  }
0x4: {  	_ = 	snop  }
0x5: {  	_ = 	snop  }
0x6: {  	_ = 	snop  }
0x7: {  	_ = 	snop  }
__scs_overlays_trampoline_lowered:
0x8: {  	[smem:$0x3F97] =	sst s0  }
0x9: {  	[smem:$0x3F98] =	sst s1  }
0xa: {  	[smem:$0x3F99] =	sst s2  }
0xb: {  	[smem:$0x3F9A] =	sst s3  }
0xc: {  	[smem:$0x3F9B] =	sst s4  }
0xd: {  	[smem:$0x3F9C] =	sst s5  }
0xe: {  	[smem:$0x3F9D] =	sst s6  }
0xf: {  	[smem:$0x3F9E] =	sst s7  }
0x10: {  	[smem:$0x3F9F] =	sst s8  }
0x11: {  	[smem:$0x3FA0] =	sst s9;
	s0 =	simm.s32 @!p0 $0x0  }
0x12: {  	s1 =	sld [smem:$0x3F86];
	s0 =	simm.s32 @p0 $0x1  }
0x13: {  	[smem:$0x3FA1] =	sst s0;
	s0 =	simm.s32 @!p1 $0x0  }
0x14: {  	s2 =	sld [smem:$0x3F85];
	s0 =	simm.s32 @p1 $0x1  }
0x15: {  	[smem:$0x3FA2] =	sst s0;
	s0 =	simm.s32 @!p2 $0x0  }
0x16: {  	s3 =	sld [smem:$0x3FDB];
	s0 =	simm.s32 @p2 $0x1  }
0x17: {  	s4 =	simm.s32 $0x1BF5;
	[smem:$0x3FA4] =	sst s0  }
0x18: {  	s0 =	sld [smem:$0x3F87];
	_ =	swait.ge [sflag:s4], $0x0  }
0x19: {  	s7 =	sld [smem:$0x3F88]  }
0x1a: {  	s8 =	sadd.s32 $0xFFFFE003, lr  }
0x1b: {  	s9 =	sadd.s32 $0xFFFFFEF7, lr;
	s5 =	simm.s32 $0xFFFFFFFF;
	p2 =	slt.u32 s8, $0xFFFFF086  }
0x1c: {  	p1 =	slt.u32 s9, $0xF7A;
	s5 =	simm.s32 @!p2 $0x0  }
0x1d: {  	s5 =	simm.s32 @p1 $0x1;
	p0 =	seq.s32 s7, s2  }
0x1e: {  	s7 =	smul.u32 @!p0 $0xF7A, s2;
	p2 =	seq.s32 @!p0 s5, $0x0  }
0x1f: {  	s9 =	smul.u32 $0xF7A, s1;
	s8 =	simm.s32 @!p0 $0x1BF5;
	p2 =	por !p2, p0  }
0x20: {  	[sflag:s8] =	ssyncset.s32 @!p0 $0xFFFFF086;
	s6 =	sadd.s32 @!p0 s3, s7;
	s7 =	simm.s32 @!p0 $0x108  }
0x21: {  	s3 =	sadd.s32 s3, s9;
	s6 =	sadd.s32 @!p0 $0x88, s6;
	s7 =	simm.s32 @p2 $0x1082  }
0x22: {  	[simem:s7], [sflag:s8] =	dma.local @!p0 [hbm:s6], $0xF7A  }
0x23: {  	s9 =	sor.u32 $0xD0000000, s2;
	s6 =	simm.s32 $0x108;
	_ =	swait.ge @!p0 [sflag:s8], $0x0  }
0x24: {  	s3 =	sadd.s32 $0x88, s3;
	s6 =	simm.s32 @!p1 $0x1082;
	[sflag:s4] =	ssyncset.s32 $0xFFFFF086  }
0x25: {  	[simem:s6], [sflag:s4] =	dma.local [hbm:s3], $0xF7A  }
0x26: {  	[smem:$0x3F88] =	sst s1;
	(tag) =	ssettag s2;
	_ =	strace s9  }
0x27: {  	s1 =	sld [smem:$0x3F98]  }
0x28: {  	s2 =	sld [smem:$0x3F99]  }
0x29: {  	s4 =	sld [smem:$0x3F9B]  }
0x2a: {  	p0 =	seq.s32 s5, $0x0;
	s5 =	sld [smem:$0x3F9C]  }
0x2b: {  	s6 =	sld [smem:$0x3F9D]  }
0x2c: {  	s7 =	sld [smem:$0x3F9E]  }
0x2d: {  	s3 =	simm.s32 $0x108;
	s8 =	sld [smem:$0x3F9F]  }
0x2e: {  	s3 =	simm.s32 @!p0 $0x1082;
	s9 =	sld [smem:$0x3FA0]  }
0x2f: {  	lr =	sadd.s32 s0, s3;
	s0 =	sld [smem:$0x3F97]  }
0x30: {  	s3 =	sld [smem:$0x3F9A]  }
0x31: {  	[smem:$0x3FA3] =	sst s10  }
0x32: {  	s10 =	sld [smem:$0x3FA1];
	_ =	sdelay $0x3  }
0x33: {  	p0 =	seq.s32 s10, $0x1;
	s10 =	sld [smem:$0x3FA3];
	_ =	sdelay $0x3  }
0x34: {  	[smem:$0x3FA3] =	sst s10  }
0x35: {  	s10 =	sld [smem:$0x3FA2];
	_ =	sdelay $0x3  }
0x36: {  	p1 =	seq.s32 s10, $0x1;
	s10 =	sld [smem:$0x3FA3];
	_ =	sdelay $0x3  }
0x37: {  	[smem:$0x3FA3] =	sst s10  }
0x38: {  	s10 =	sld [smem:$0x3FA4]  }
0x39: {  	_ = 	snop;
	(pc) =	sbr.ind lr, $3  }
0x3a: {  	_ = 	snop  }
0x3b: {  	_ = 	snop  }
0x3c: {  	p2 =	seq.s32 s10, $0x1;
	s10 =	sld [smem:$0x3FA3]  }
0x3d: {  	_ =	shalt  }
0x3e: {  	_ =	shalt  }
0x3f: {  	_ =	shalt  }
0x40: {  	_ =	shalt  }
0x41: {  	_ =	shalt  }
0x42: {  	_ =	shalt  }
0x43: {  	_ =	shalt  }
0x44: {  	_ =	shalt  }
0x45: {  	_ =	shalt  }
0x46: {  	_ =	shalt  }
0x47: {  	_ =	shalt  }
0x48: {  	_ =	shalt  }
0x49: {  	_ =	shalt  }
0x4a: {  	_ =	shalt  }
0x4b: {  	_ =	shalt  }
0x4c: {  	_ =	shalt  }
0x4d: {  	_ =	shalt  }
0x4e: {  	_ =	shalt  }
0x4f: {  	_ =	shalt  }
0x50: {  	_ =	shalt  }
0x51: {  	_ =	shalt  }
0x52: {  	_ =	shalt  }
0x53: {  	_ =	shalt  }
0x54: {  	_ =	shalt  }
0x55: {  	_ =	shalt  }
0x56: {  	_ =	shalt  }
0x57: {  	_ =	shalt  }
0x58: {  	_ =	shalt  }
0x59: {  	_ =	shalt  }
0x5a: {  	_ =	shalt  }
0x5b: {  	_ =	shalt  }
0x5c: {  	_ =	shalt  }
0x5d: {  	_ =	shalt  }
0x5e: {  	_ =	shalt  }
0x5f: {  	_ =	shalt  }
0x60: {  	_ =	shalt  }
0x61: {  	_ =	shalt  }
0x62: {  	_ =	shalt  }
0x63: {  	_ =	shalt  }
0x64: {  	_ =	shalt  }
0x65: {  	_ =	shalt  }
0x66: {  	_ =	shalt  }
0x67: {  	_ =	shalt  }
0x68: {  	_ =	shalt  }
0x69: {  	_ =	shalt  }
0x6a: {  	_ =	shalt  }
0x6b: {  	_ =	shalt  }
0x6c: {  	_ =	shalt  }
0x6d: {  	_ =	shalt  }
0x6e: {  	_ =	shalt  }
0x6f: {  	_ =	shalt  }
0x70: {  	_ =	shalt  }
0x71: {  	_ =	shalt  }
0x72: {  	_ =	shalt  }
0x73: {  	_ =	shalt  }
0x74: {  	_ =	shalt  }
0x75: {  	_ =	shalt  }
0x76: {  	_ =	shalt  }
0x77: {  	_ =	shalt  }
0x78: {  	_ =	shalt  }
0x79: {  	_ =	shalt  }
0x7a: {  	_ =	shalt  }
0x7b: {  	_ =	shalt  }
0x7c: {  	_ =	shalt  }
0x7d: {  	_ =	shalt  }
0x7e: {  	_ =	shalt  }
0x7f: {  	_ =	shalt  }
0x80: {  	_ =	shalt  }
0x81: {  	_ =	shalt  }
0x82: {  	_ =	shalt  }
0x83: {  	_ =	shalt  }
0x84: {  	_ =	shalt  }
0x85: {  	_ =	shalt  }
0x86: {  	_ =	shalt  }
0x87: {  	_ =	shalt  }
.Lfunc_end0:
.L_simem_size_0:
called_computation.2_lowered:
.L_overlay_start_0:
0x88: {  	s2 =	sld [smem:$0x3FD9]  }
0x89: {  	s3 =	sld [smem:$0x3FFE];
	_ =	sdelay $0x1  }
0x8a: {  	s1 =	srdreg.scid  }
0x8b: {  	s0 =	sand.u32 $0x1, s1  }
0x8c: {  	s14 =	sshll.u32 s0, $0xA;
	s2 =	sadd.s32 s3, s2  }
0x8d: {  	s2 =	sadd.s32 s2, s14  }
0x8e: {  	[smem:$0x3FAF] =	sst s2  }
0x8f: {  	_ = 	snop  }
0x90: {  	s2 =	sld [smem:$0x3FD0];
	_ =	sdelay $0x2  }
0x91: {  	s15 =	simm.s32 $0xA;
	s4 =	simm.s32 $0x10  }
0x92: {  	[smem:s4], [sflag:s15] =	dma.local [hbm:s2], $0x1  }
0x93: {  	_ =	swait.eq [sflag:s15], $0x1  }
0x94: {  	[sflag:s15] =	ssyncset.done $0x0  }
0x95: {  	[sflag:s15] =	ssyncadd.s32 $0xFFFFFFFF  }
0x96: {  	s16 =	sld [smem:$0x10];
	(tm) =	ssettm $0x1  }
0x97: {  	s17 =	sld [smem:$0x3FFB];
	_ =	sdelay $0x3  }
0x98: {  	_ =	strace s17  }
0x99: {  	s3 =	sld [smem:$0x3FFC];
	_ =	sdelay $0x3  }
0x9a: {  	_ =	strace s3  }
0x9b: {  	s3 =	sld [smem:$0x3FFD];
	_ =	sdelay $0x3  }
0x9c: {  	_ =	strace s3  }
0x9d: {  	_ =	strace $0x8FFFFFFF  }
0x9e: {  	s18 =	sld [smem:$0x3FDB];
	_ =	sdelay $0x1  }
0x9f: {  	s19 =	simm.s32 $_scs_section_size  }
0xa0: {  	s5 =	simm.s32 $_size__tile_overlayer_lowered;
	s6 =	simm.s32 $_tile_overlayer_lowered  }
0xa1: {  	s22 =	simm.s32 $0x1BFF;
	s21 =	sshll.u32 s6, $0x1;
	s3 =	sadd.s32 s19, s18  }
0xa2: {  	s7 =	simm.s32 $0x0;
	s20 =	sshll.u32 s5, $0x1;
	s5 =	sadd.s32 s21, s3  }
0xa3: {  	[timem:s7], [sflag:s22] =	dma.local [hbm:s5], s20  }
0xa4: {  	_ =	swait.ge [sflag:s22], s20  }
0xa5: {  	s4 =	ssub.s32 $0x0, s20;
	[sflag:s22] =	ssyncset.done $0x0  }
0xa6: {  	[sflag:s22] =	ssyncadd.s32 s4;
	_ =	sdelay $0x1  }
0xa7: {  	s23 =	simm.s32 $0x1B8B  }
0xa8: {  	_ =	swait.ge [sflag:s23], $0x1  }
0xa9: {  	[sflag:s23] =	ssyncset.done $0x0  }
0xaa: {  	s25 =	simm.s32 $0x1B8E;
	s24 =	sld [smem:$0x3FFE];
	[sflag:s23] =	ssyncadd.s32 $0xFFFFFFFF  }
0xab: {  	s26 =	simm.s32 $execute0_lowered;
	[smem:$0x3FD2] =	sst s25  }
0xac: {  	s5 =	sshll.u32 s26, $0x1;
	_ =	strace $0x8000004C;
	[dreg:$0x1] =	wrdreg $0xFFFFFFFF  }
0xad: {  	s28 =	simm.s32 $_size_execute0_lowered;
	s3 =	sadd.s32 s3, s5;
	[dreg:$0x0] =	wrdreg $0x0  }
0xae: {  	s5 =	sshll.u32 s28, $0x1;
	[dreg:$0x2] =	wrdreg s3  }
0xaf: {  	[dreg:$0x3] =	wrdreg s5  }
0xb0: {  	[dreg:$0x4] =	wrdreg $0xC0  }
0xb1: {  	_ =	task [dreg:s7], $0x5FFFF  }
0xb2: {  	[dreg:$0x1] =	wrdreg $0xFFFFFFFF  }
0xb3: {  	[dreg:$0x0] =	wrdreg $0x60  }
0xb4: {  	[dreg:$0x2] =	wrdreg s16  }
0xb5: {  	[dreg:$0x3] =	wrdreg s24  }
0xb6: {  	[dreg:$0x4] =	wrdreg $0x41000  }
0xb7: {  	[dreg:$0x5] =	wrdreg $0x9  }
0xb8: {  	_ =	task.clear_ibuf [dreg:s7], $0x6FFFF;
	_ =	strace $0x9000004C  }
0xb9: {  	s29 =	simm.s32 $0x9;
	_ =	strace $0x8000004E  }
0xba: {  	_ =	swait.ge [sflag:s29], $0x1  }
0xbb: {  	[sflag:s29] =	ssyncadd.s32 $0xFFFFFFFF  }
0xbc: {  	_ =	strace $0x9000004E  }
0xbd: {  	_ =	sfence  }
0xbe: {  	s30 =	sld [smem:$0x0];
	_ =	sdelay $0x2  }
0xbf: {  	s31 =	sshll.u32 s1, $0xD;
	s1 =	sshrl.u32 s1, $0x2  }
0xc0: {  	s3 =	sand.u32 $0x4000, s31;
	s1 =	sadd.s32 s1, s30  }
0xc1: {  	s0 =	sor.u32 s3, s0;
	s1 =	sshll.u32 s1, $0x11  }
0xc2: {  	s0 =	sor.u32 s1, s0  }
0xc3: {  	s0 =	sadd.s32 $0x8F2B, s0  }
0xc4: {  	[sflag:s0] =	ssyncadd.remote.s32 $0x1  }
0xc5: {  	_ =	sfence.sel $0xFFFF  }
0xc6: {  	[dreg:$0x0] =	wrdreg $0xFFFFFFFF;
	(pc) =	sbr.abs _section_cstart, $3  }
0xc7: {  	[dreg:$0x1] =	wrdreg $0xFFFFFFFF  }
0xc8: {  	_ =	task.clear_ibuf [dreg:s7], $0x2FFFF;
	_ =	strace $0x9FFFFFFF  }
0xc9: {  	(tm) =	ssettm $0x7FFFFFFF  }
tec
execute0_lowered:
.L_overlay_start_1:
0x0: {  	(tag) =	ssettag $0x1  }
0x1: {  	s2 =	rddreg [dreg:$0x0]  }
0x2: {  	s6 =	rddreg [dreg:$0x1]  }
0x3: {  	s3 =	rddreg [dreg:$0x2]  }
0x4: {  	s0 =	rddreg [dreg:$0x3]  }
0x5: {  	s1 =	stileid.u32;
	s5 =	srdreg.scid  }
0x6: {  	s4 =	simm.s32 $0x0;
	s13 =	simm.s32 $0x2;
	s7 =	smul.u32 $0x2E, s1  }
0x7: {  	s14 =	simm.s32 $0x80;
	s15 =	simm.s32 $0x100;
	s8 =	smul.u32 $0x70, s1  }
0x8: {  	s16 =	simm.s32 $0x1;
	s17 =	simm.s32 $0x0;
	s26 =	smul.u32 $0x2800, s1  }
0x9: {  	s5 =	sand.u32 $0x1, s5;
	[smem:$0x7FF] =	sst s4;
	s10 =	smul.u32 $0x50000, s1  }
0xa: {  	s31 =	sshll.u32 s1, $0x6;
	p0 =	seq.s32 s5, $0x0;
	_ =	strace $0x8000004D  }
0xb: {  	s9 =	smul.u32 $0x28000, s5;
	s28 =	ssub.s32 $0x2, s5;
	s5 =	sadd.s32 $0x31A00, s6  }
0xc: {  	s7 =	sadd.s32 $0x700, s7;
	s29 =	sshrl.u32 s28, $0x1;
	s30 =	sshrl.u32 s10, $0x2  }
0xd: {  	s7 =	smov.u32 @p0 s8;
	s8 =	sadd.s32 s26, s9;
	s9 =	ssub.s32 s28, s29  }
0xe: {  	s12 =	sadd.s32 s30, s3;
	s7 =	sshll.u32 s7, $0x4;
	s8 =	sadd.s32 s8, s6  }
0xf: {  	s9 =	smax.u32 s9, $0x1;
	s12 =	sshrl.u32 s12, $0x3;
	s11 =	sadd.s32 s7, s6  }
0x10: {  	s6 =	simm.s32 $0x70;
	s7 =	sor.u32 $0x1C02, s31;
	s8 =	sadd.s32 $0x5B400, s8  }
0x11: {  	s6 =	simm.s32 @!p0 $0x2E;
	s10 =	sadd.s32 $0x27C00, s11;
	s11 =	sadd.s32 $0x1DE00, s11  }
.LBB2_1:
0x12: {  	[spmem:s12], [sflag:s7] =	dma.local [hbm:s5], $0x2800  }
0x13: {  	_ =	swait.ge [sflag:s13], $0x2800  }
0x14: {  	[sflag:s13] =	ssyncset.done $0x0  }
0x15: {  	[sflag:s13] =	ssyncadd.s32 $0xFFFFD800  }
0x16: {  	[bflag:$0x0] =	sbarrier.arrive $0xFFFF  }
0x17: {  	[tilespmem:s4], [sflag:$0x2] =	stream.linear.gather [hbm4b:s11+s4], $0x80, $0x38;
	[tilespmem:$0x18100] =	vst v63  }
0x18: {  	_ =	swait.ge [sflag:s13], $0x80  }
0x19: {  	[sflag:s13] =	ssyncset.done $0x0  }
0x1a: {  	[sflag:s13] =	ssyncadd.s32 $0xFFFFFF80  }
0x1b: {  	[tilespmem:s14], [sflag:$0x2] =	stream.linear.gather [hbm4b:s10+s4], $0x80, $0x38;
	[tilespmem:$0x18100] =	vst v63  }
0x1c: {  	_ =	swait.ge [sflag:s13], $0x80  }
0x1d: {  	[sflag:s13] =	ssyncset.done $0x0  }
0x1e: {  	[sflag:s13] =	ssyncadd.s32 $0xFFFFFF80  }
0x1f: {  	[tilespmem:s15], [sflag:$0x1] =	stream.indirect.gather [hbm4b:s2+s14], $0x80, s4, s14, $0xb8;
	[tilespmem:$0x18100] =	vst v63  }
0x20: {  	p0 =	sne.s32 s6, $0x1;
	_ =	swait.ge [sflag:s16], $0x4000  }
.Ltmp0:
0x21: {  	[sflag:s16] =	ssyncset.done $0x0;
	(pc) =	sbr.rel @!p0 .LBB2_3-.Ltmp0, $4  }
0x22: {  	[sflag:s16] =	ssyncadd.s32 $0xFFFFC000  }
0x23: {  	[spmem:s3] =	stream.indirect.scatter.add.f32 [tilespmem:s15], [sflag:$0x2], $0x80, s14, s14, $0xb8;
	[tilespmem:$0x18100] =	vst v63  }
0x24: {  	s18 =	sadd.s32 $0xFFFFFFFF, s6;
	_ =	swait.ge [sflag:s13], $0x4000  }
0x25: {  	s19 =	smov.u32 s10;
	s20 =	smov.u32 s11;
	[sflag:s13] =	ssyncset.done $0x0  }
.LBB2_2:
0x26: {  	[sflag:s13] =	ssyncadd.s32 $0xFFFFC000;
	s19 =	sadd.s32 $0x10, s19;
	s20 =	sadd.s32 $0x10, s20  }
0x27: {  	[tilespmem:s4], [sflag:$0x2] =	stream.linear.gather [hbm4b:s20+s4], $0x80, $0x38;
	[tilespmem:$0x18100] =	vst v63  }
0x28: {  	p0 =	sne.s32 s18, $0x1;
	s18 =	sadd.s32 $0xFFFFFFFF, s18;
	_ =	swait.ge [sflag:s13], $0x80  }
0x29: {  	[sflag:s13] =	ssyncset.done $0x0  }
0x2a: {  	[sflag:s13] =	ssyncadd.s32 $0xFFFFFF80  }
0x2b: {  	[tilespmem:s14], [sflag:$0x2] =	stream.linear.gather [hbm4b:s19+s4], $0x80, $0x38;
	[tilespmem:$0x18100] =	vst v63  }
0x2c: {  	_ =	swait.ge [sflag:s13], $0x80  }
0x2d: {  	[sflag:s13] =	ssyncset.done $0x0  }
0x2e: {  	[sflag:s13] =	ssyncadd.s32 $0xFFFFFF80  }
0x2f: {  	[tilespmem:s15], [sflag:$0x1] =	stream.indirect.gather [hbm4b:s2+s14], $0x80, s4, s14, $0xb8;
	[tilespmem:$0x18100] =	vst v63  }
0x30: {  	_ =	swait.ge [sflag:s16], $0x4000  }
.Ltmp1:
0x31: {  	[sflag:s16] =	ssyncset.done $0x0;
	(pc) =	sbr.rel @p0 .LBB2_2-.Ltmp1, $4  }
0x32: {  	[sflag:s16] =	ssyncadd.s32 $0xFFFFC000  }
0x33: {  	[spmem:s3] =	stream.indirect.scatter.add.f32 [tilespmem:s15], [sflag:$0x2], $0x80, s14, s14, $0xb8;
	[tilespmem:$0x18100] =	vst v63  }
0x34: {  	_ =	swait.ge [sflag:s13], $0x4000  }
0x35: {  	[sflag:s13] =	ssyncset.done $0x0  }
.LBB2_3:
0x36: {  	s17 =	sadd.s32 $0x1, s17  }
0x37: {  	[sflag:s13] =	ssyncadd.s32 $0xFFFFC000;
	p0 =	sne.s32 s17, s9  }
.Ltmp2:
0x38: {  	[bflag:$0x0] =	sbarrier.arrive $0xFFFF;
	(pc) =	sbr.rel @p0 .LBB2_1-.Ltmp2, $4  }
0x39: {  	[hbm:s8], [sflag:s7] =	dma.local [spmem:s12], $0x2800  }
0x3a: {  	_ =	swait.ge [sflag:s13], $0x2800  }
0x3b: {  	[sflag:s13] =	ssyncset.done $0x0  }
0x3c: {  	[sflag:s13] =	ssyncadd.s32 $0xFFFFD800  }
0x3d: {  	_ =	sfence.sel $0x180000  }
0x3e: {  	[bflag:$0x0] =	sbarrier.arrive $0xFFFF  }
0x3f: {  	p0 =	sne.s32 s1, $0x0;
	_ =	strace $0x9000004D  }
0x40: {  	s0 =	sadd.s32 @!p0 $0x100000, s0;
	[bflag:$0x2] =	sbarrier.arrive $0xFFFF  }
0x41: {  	[sflag:s0] =	ssyncadd.tile.s32 @!p0 $0x1;
	_ =	shalt  }
.Lfunc_end2:
_tile_overlayer_lowered:
.L_overlay_start_2:
0x42: {  	(tag) =	ssettag $0x2  }
0x43: {  	s0 =	rddreg [dreg:$0x0];
	s2 =	stileid.u32  }
0x44: {  	s1 =	rddreg [dreg:$0x1];
	p0 =	sne.s32 s2, $0x0  }
0x45: {  	s3 =	rddreg [dreg:$0x2];
	[bflag:$0x3] =	sbarrier.arrive $0xFFFF;
	s2 =	simm.s32 @!p0 $0x1C02  }
0x46: {  	[timem:s3], [sflag:s2] =	dma.local @!p0 [hbm:s0], s1  }
0x47: {  	s0 =	simm.s32 @!p0 $0x2  }
0x48: {  	_ =	swait.ge @!p0 [sflag:s0], s1  }
0x49: {  	s1 =	ssub.s32 @!p0 $0x0, s1;
	[sflag:s0] =	ssyncset.done @!p0 $0x0  }
0x4a: {  	[sflag:s0] =	ssyncadd.s32 @!p0 s1  }
0x4b: {  	[bflag:$0x3] =	sbarrier.arrive $0xFFFF  }
0x4c: {  	_ =	shalt  }

// kernel: kernel.31.cloned.1.call-start
scs
__scs_entry_jumppad:
0x0: {  	(pc) =	sbr.rel $0x88, $3  }
0x1: {  	(tag) =	ssettag $0x0;
	lr =	simm.s32 $0x1  }
0x2: {  	[smem:$0x3F88] =	sst lr;
	_ =	strace $0xD0000000  }
0x3: {  	_ = 	snop  }
0x4: {  	_ = 	snop  }
0x5: {  	_ = 	snop  }
0x6: {  	_ = 	snop  }
0x7: {  	_ = 	snop  }
__scs_overlays_trampoline_lowered:
0x8: {  	[smem:$0x3F97] =	sst s0  }
0x9: {  	[smem:$0x3F98] =	sst s1  }
0xa: {  	[smem:$0x3F99] =	sst s2  }
0xb: {  	[smem:$0x3F9A] =	sst s3  }
0xc: {  	[smem:$0x3F9B] =	sst s4  }
0xd: {  	[smem:$0x3F9C] =	sst s5  }
0xe: {  	[smem:$0x3F9D] =	sst s6  }
0xf: {  	[smem:$0x3F9E] =	sst s7  }
0x10: {  	[smem:$0x3F9F] =	sst s8  }
0x11: {  	[smem:$0x3FA0] =	sst s9;
	s0 =	simm.s32 @!p0 $0x0  }
0x12: {  	s1 =	sld [smem:$0x3F86];
	s0 =	simm.s32 @p0 $0x1  }
0x13: {  	[smem:$0x3FA1] =	sst s0;
	s0 =	simm.s32 @!p1 $0x0  }
0x14: {  	s2 =	sld [smem:$0x3F85];
	s0 =	simm.s32 @p1 $0x1  }
0x15: {  	[smem:$0x3FA2] =	sst s0;
	s0 =	simm.s32 @!p2 $0x0  }
0x16: {  	s3 =	sld [smem:$0x3FDB];
	s0 =	simm.s32 @p2 $0x1  }
0x17: {  	s4 =	simm.s32 $0x1BF5;
	[smem:$0x3FA4] =	sst s0  }
0x18: {  	s0 =	sld [smem:$0x3F87];
	_ =	swait.ge [sflag:s4], $0x0  }
0x19: {  	s7 =	sld [smem:$0x3F88]  }
0x1a: {  	s8 =	sadd.s32 $0xFFFFE003, lr  }
0x1b: {  	s9 =	sadd.s32 $0xFFFFFEF7, lr;
	s5 =	simm.s32 $0xFFFFFFFF;
	p2 =	slt.u32 s8, $0xFFFFF086  }
0x1c: {  	p1 =	slt.u32 s9, $0xF7A;
	s5 =	simm.s32 @!p2 $0x0  }
0x1d: {  	s5 =	simm.s32 @p1 $0x1;
	p0 =	seq.s32 s7, s2  }
0x1e: {  	s7 =	smul.u32 @!p0 $0xF7A, s2;
	p2 =	seq.s32 @!p0 s5, $0x0  }
0x1f: {  	s9 =	smul.u32 $0xF7A, s1;
	s8 =	simm.s32 @!p0 $0x1BF5;
	p2 =	por !p2, p0  }
0x20: {  	[sflag:s8] =	ssyncset.s32 @!p0 $0xFFFFF086;
	s6 =	sadd.s32 @!p0 s3, s7;
	s7 =	simm.s32 @!p0 $0x108  }
0x21: {  	s3 =	sadd.s32 s3, s9;
	s6 =	sadd.s32 @!p0 $0x88, s6;
	s7 =	simm.s32 @p2 $0x1082  }
0x22: {  	[simem:s7], [sflag:s8] =	dma.local @!p0 [hbm:s6], $0xF7A  }
0x23: {  	s9 =	sor.u32 $0xD0000000, s2;
	s6 =	simm.s32 $0x108;
	_ =	swait.ge @!p0 [sflag:s8], $0x0  }
0x24: {  	s3 =	sadd.s32 $0x88, s3;
	s6 =	simm.s32 @!p1 $0x1082;
	[sflag:s4] =	ssyncset.s32 $0xFFFFF086  }
0x25: {  	[simem:s6], [sflag:s4] =	dma.local [hbm:s3], $0xF7A  }
0x26: {  	[smem:$0x3F88] =	sst s1;
	(tag) =	ssettag s2;
	_ =	strace s9  }
0x27: {  	s1 =	sld [smem:$0x3F98]  }
0x28: {  	s2 =	sld [smem:$0x3F99]  }
0x29: {  	s4 =	sld [smem:$0x3F9B]  }
0x2a: {  	p0 =	seq.s32 s5, $0x0;
	s5 =	sld [smem:$0x3F9C]  }
0x2b: {  	s6 =	sld [smem:$0x3F9D]  }
0x2c: {  	s7 =	sld [smem:$0x3F9E]  }
0x2d: {  	s3 =	simm.s32 $0x108;
	s8 =	sld [smem:$0x3F9F]  }
0x2e: {  	s3 =	simm.s32 @!p0 $0x1082;
	s9 =	sld [smem:$0x3FA0]  }
0x2f: {  	lr =	sadd.s32 s0, s3;
	s0 =	sld [smem:$0x3F97]  }
0x30: {  	s3 =	sld [smem:$0x3F9A]  }
0x31: {  	[smem:$0x3FA3] =	sst s10  }
0x32: {  	s10 =	sld [smem:$0x3FA1];
	_ =	sdelay $0x3  }
0x33: {  	p0 =	seq.s32 s10, $0x1;
	s10 =	sld [smem:$0x3FA3];
	_ =	sdelay $0x3  }
0x34: {  	[smem:$0x3FA3] =	sst s10  }
0x35: {  	s10 =	sld [smem:$0x3FA2];
	_ =	sdelay $0x3  }
0x36: {  	p1 =	seq.s32 s10, $0x1;
	s10 =	sld [smem:$0x3FA3];
	_ =	sdelay $0x3  }
0x37: {  	[smem:$0x3FA3] =	sst s10  }
0x38: {  	s10 =	sld [smem:$0x3FA4]  }
0x39: {  	_ = 	snop;
	(pc) =	sbr.ind lr, $3  }
0x3a: {  	_ = 	snop  }
0x3b: {  	_ = 	snop  }
0x3c: {  	p2 =	seq.s32 s10, $0x1;
	s10 =	sld [smem:$0x3FA3]  }
0x3d: {  	_ =	shalt  }
0x3e: {  	_ =	shalt  }
0x3f: {  	_ =	shalt  }
0x40: {  	_ =	shalt  }
0x41: {  	_ =	shalt  }
0x42: {  	_ =	shalt  }
0x43: {  	_ =	shalt  }
0x44: {  	_ =	shalt  }
0x45: {  	_ =	shalt  }
0x46: {  	_ =	shalt  }
0x47: {  	_ =	shalt  }
0x48: {  	_ =	shalt  }
0x49: {  	_ =	shalt  }
0x4a: {  	_ =	shalt  }
0x4b: {  	_ =	shalt  }
0x4c: {  	_ =	shalt  }
0x4d: {  	_ =	shalt  }
0x4e: {  	_ =	shalt  }
0x4f: {  	_ =	shalt  }
0x50: {  	_ =	shalt  }
0x51: {  	_ =	shalt  }
0x52: {  	_ =	shalt  }
0x53: {  	_ =	shalt  }
0x54: {  	_ =	shalt  }
0x55: {  	_ =	shalt  }
0x56: {  	_ =	shalt  }
0x57: {  	_ =	shalt  }
0x58: {  	_ =	shalt  }
0x59: {  	_ =	shalt  }
0x5a: {  	_ =	shalt  }
0x5b: {  	_ =	shalt  }
0x5c: {  	_ =	shalt  }
0x5d: {  	_ =	shalt  }
0x5e: {  	_ =	shalt  }
0x5f: {  	_ =	shalt  }
0x60: {  	_ =	shalt  }
0x61: {  	_ =	shalt  }
0x62: {  	_ =	shalt  }
0x63: {  	_ =	shalt  }
0x64: {  	_ =	shalt  }
0x65: {  	_ =	shalt  }
0x66: {  	_ =	shalt  }
0x67: {  	_ =	shalt  }
0x68: {  	_ =	shalt  }
0x69: {  	_ =	shalt  }
0x6a: {  	_ =	shalt  }
0x6b: {  	_ =	shalt  }
0x6c: {  	_ =	shalt  }
0x6d: {  	_ =	shalt  }
0x6e: {  	_ =	shalt  }
0x6f: {  	_ =	shalt  }
0x70: {  	_ =	shalt  }
0x71: {  	_ =	shalt  }
0x72: {  	_ =	shalt  }
0x73: {  	_ =	shalt  }
0x74: {  	_ =	shalt  }
0x75: {  	_ =	shalt  }
0x76: {  	_ =	shalt  }
0x77: {  	_ =	shalt  }
0x78: {  	_ =	shalt  }
0x79: {  	_ =	shalt  }
0x7a: {  	_ =	shalt  }
0x7b: {  	_ =	shalt  }
0x7c: {  	_ =	shalt  }
0x7d: {  	_ =	shalt  }
0x7e: {  	_ =	shalt  }
0x7f: {  	_ =	shalt  }
0x80: {  	_ =	shalt  }
0x81: {  	_ =	shalt  }
0x82: {  	_ =	shalt  }
0x83: {  	_ =	shalt  }
0x84: {  	_ =	shalt  }
0x85: {  	_ =	shalt  }
0x86: {  	_ =	shalt  }
0x87: {  	_ =	shalt  }
.Lfunc_end0:
.L_simem_size_0:
called_computation.3_lowered:
.L_overlay_start_0:
0x88: {  	s2 =	sld [smem:$0x3FD9]  }
0x89: {  	s3 =	sld [smem:$0x3FFE];
	_ =	sdelay $0x1  }
0x8a: {  	s1 =	srdreg.scid  }
0x8b: {  	s0 =	sand.u32 $0x1, s1  }
0x8c: {  	s14 =	sshll.u32 s0, $0xA;
	s2 =	sadd.s32 s3, s2  }
0x8d: {  	s2 =	sadd.s32 s2, s14  }
0x8e: {  	[smem:$0x3FAF] =	sst s2  }
0x8f: {  	_ = 	snop  }
0x90: {  	s2 =	sld [smem:$0x3FD0];
	_ =	sdelay $0x2  }
0x91: {  	s15 =	simm.s32 $0xA;
	s4 =	simm.s32 $0x10  }
0x92: {  	[smem:s4], [sflag:s15] =	dma.local [hbm:s2], $0x1  }
0x93: {  	_ =	swait.eq [sflag:s15], $0x1  }
0x94: {  	[sflag:s15] =	ssyncset.done $0x0  }
0x95: {  	[sflag:s15] =	ssyncadd.s32 $0xFFFFFFFF  }
0x96: {  	s16 =	sld [smem:$0x10];
	(tm) =	ssettm $0x1  }
0x97: {  	s17 =	sld [smem:$0x3FFB];
	_ =	sdelay $0x3  }
0x98: {  	_ =	strace s17  }
0x99: {  	s3 =	sld [smem:$0x3FFC];
	_ =	sdelay $0x3  }
0x9a: {  	_ =	strace s3  }
0x9b: {  	s3 =	sld [smem:$0x3FFD];
	_ =	sdelay $0x3  }
0x9c: {  	_ =	strace s3  }
0x9d: {  	_ =	strace $0x8FFFFFFF  }
0x9e: {  	s18 =	sld [smem:$0x3FDB];
	_ =	sdelay $0x1  }
0x9f: {  	s19 =	simm.s32 $_scs_section_size  }
0xa0: {  	s5 =	simm.s32 $_size__tile_overlayer_lowered;
	s6 =	simm.s32 $_tile_overlayer_lowered  }
0xa1: {  	s22 =	simm.s32 $0x1BFF;
	s21 =	sshll.u32 s6, $0x1;
	s3 =	sadd.s32 s19, s18  }
0xa2: {  	s7 =	simm.s32 $0x0;
	s20 =	sshll.u32 s5, $0x1;
	s5 =	sadd.s32 s21, s3  }
0xa3: {  	[timem:s7], [sflag:s22] =	dma.local [hbm:s5], s20  }
0xa4: {  	_ =	swait.ge [sflag:s22], s20  }
0xa5: {  	s4 =	ssub.s32 $0x0, s20;
	[sflag:s22] =	ssyncset.done $0x0  }
0xa6: {  	[sflag:s22] =	ssyncadd.s32 s4;
	_ =	sdelay $0x1  }
0xa7: {  	s23 =	simm.s32 $0x1B8B  }
0xa8: {  	_ =	swait.ge [sflag:s23], $0x1  }
0xa9: {  	[sflag:s23] =	ssyncset.done $0x0  }
0xaa: {  	s25 =	simm.s32 $0x1B8E;
	s24 =	sld [smem:$0x3FFE];
	[sflag:s23] =	ssyncadd.s32 $0xFFFFFFFF  }
0xab: {  	s26 =	simm.s32 $execute0_lowered;
	[smem:$0x3FD2] =	sst s25  }
0xac: {  	s5 =	sshll.u32 s26, $0x1;
	_ =	strace $0x8000004F;
	[dreg:$0x1] =	wrdreg $0xFFFFFFFF  }
0xad: {  	s28 =	simm.s32 $_size_execute0_lowered;
	s3 =	sadd.s32 s3, s5;
	[dreg:$0x0] =	wrdreg $0x0  }
0xae: {  	s5 =	sshll.u32 s28, $0x1;
	[dreg:$0x2] =	wrdreg s3  }
0xaf: {  	[dreg:$0x3] =	wrdreg s5  }
0xb0: {  	[dreg:$0x4] =	wrdreg $0xC0  }
0xb1: {  	_ =	task [dreg:s7], $0x5FFFF  }
0xb2: {  	[dreg:$0x1] =	wrdreg $0xFFFFFFFF  }
0xb3: {  	[dreg:$0x0] =	wrdreg $0x60  }
0xb4: {  	[dreg:$0x2] =	wrdreg s16  }
0xb5: {  	[dreg:$0x3] =	wrdreg s24  }
0xb6: {  	[dreg:$0x4] =	wrdreg $0x41000  }
0xb7: {  	[dreg:$0x5] =	wrdreg $0x9  }
0xb8: {  	_ =	task.clear_ibuf [dreg:s7], $0x6FFFF;
	_ =	strace $0x9000004F  }
0xb9: {  	s29 =	simm.s32 $0x9;
	_ =	strace $0x80000051  }
0xba: {  	_ =	swait.ge [sflag:s29], $0x1  }
0xbb: {  	[sflag:s29] =	ssyncadd.s32 $0xFFFFFFFF  }
0xbc: {  	_ =	strace $0x90000051  }
0xbd: {  	_ =	sfence  }
0xbe: {  	s30 =	sld [smem:$0x0];
	_ =	sdelay $0x2  }
0xbf: {  	s31 =	sshll.u32 s1, $0xD;
	s1 =	sshrl.u32 s1, $0x2  }
0xc0: {  	s3 =	sand.u32 $0x4000, s31;
	s1 =	sadd.s32 s1, s30  }
0xc1: {  	s0 =	sor.u32 s3, s0;
	s1 =	sshll.u32 s1, $0x11  }
0xc2: {  	s0 =	sor.u32 s1, s0  }
0xc3: {  	s0 =	sadd.s32 $0x8F2B, s0  }
0xc4: {  	[sflag:s0] =	ssyncadd.remote.s32 $0x1  }
0xc5: {  	_ =	sfence.sel $0xFFFF  }
0xc6: {  	[dreg:$0x0] =	wrdreg $0xFFFFFFFF;
	(pc) =	sbr.abs _section_cstart, $3  }
0xc7: {  	[dreg:$0x1] =	wrdreg $0xFFFFFFFF  }
0xc8: {  	_ =	task.clear_ibuf [dreg:s7], $0x2FFFF;
	_ =	strace $0x9FFFFFFF  }
0xc9: {  	(tm) =	ssettm $0x7FFFFFFF  }
tec
execute0_lowered:
.L_overlay_start_1:
0x0: {  	(tag) =	ssettag $0x1  }
0x1: {  	s2 =	rddreg [dreg:$0x0]  }
0x2: {  	s6 =	rddreg [dreg:$0x1]  }
0x3: {  	s3 =	rddreg [dreg:$0x2]  }
0x4: {  	s0 =	rddreg [dreg:$0x3]  }
0x5: {  	s1 =	stileid.u32;
	s5 =	srdreg.scid  }
0x6: {  	s4 =	simm.s32 $0x0;
	s13 =	simm.s32 $0x2;
	s7 =	smul.u32 $0x2E, s1  }
0x7: {  	s14 =	simm.s32 $0x80;
	s15 =	simm.s32 $0x100;
	s8 =	smul.u32 $0x70, s1  }
0x8: {  	s16 =	simm.s32 $0x1;
	s17 =	simm.s32 $0x0;
	s26 =	smul.u32 $0x2800, s1  }
0x9: {  	s5 =	sand.u32 $0x1, s5;
	[smem:$0x7FF] =	sst s4;
	s10 =	smul.u32 $0x50000, s1  }
0xa: {  	s31 =	sshll.u32 s1, $0x6;
	p0 =	seq.s32 s5, $0x0;
	_ =	strace $0x80000050  }
0xb: {  	s9 =	smul.u32 $0x28000, s5;
	s28 =	ssub.s32 $0x2, s5;
	s5 =	sadd.s32 $0x31A00, s6  }
0xc: {  	s7 =	sadd.s32 $0x700, s7;
	s29 =	sshrl.u32 s28, $0x1;
	s30 =	sshrl.u32 s10, $0x2  }
0xd: {  	s7 =	smov.u32 @p0 s8;
	s8 =	sadd.s32 s26, s9;
	s9 =	ssub.s32 s28, s29  }
0xe: {  	s12 =	sadd.s32 s30, s3;
	s7 =	sshll.u32 s7, $0x4;
	s8 =	sadd.s32 s8, s6  }
0xf: {  	s9 =	smax.u32 s9, $0x1;
	s12 =	sshrl.u32 s12, $0x3;
	s11 =	sadd.s32 s7, s6  }
0x10: {  	s6 =	simm.s32 $0x70;
	s7 =	sor.u32 $0x1C02, s31;
	s8 =	sadd.s32 $0x5B400, s8  }
0x11: {  	s6 =	simm.s32 @!p0 $0x2E;
	s10 =	sadd.s32 $0x14000, s11;
	s11 =	sadd.s32 $0xA200, s11  }
.LBB2_1:
0x12: {  	[spmem:s12], [sflag:s7] =	dma.local [hbm:s5], $0x2800  }
0x13: {  	_ =	swait.ge [sflag:s13], $0x2800  }
0x14: {  	[sflag:s13] =	ssyncset.done $0x0  }
0x15: {  	[sflag:s13] =	ssyncadd.s32 $0xFFFFD800  }
0x16: {  	[bflag:$0x0] =	sbarrier.arrive $0xFFFF  }
0x17: {  	[tilespmem:s4], [sflag:$0x2] =	stream.linear.gather [hbm4b:s11+s4], $0x80, $0x38;
	[tilespmem:$0x18100] =	vst v63  }
0x18: {  	_ =	swait.ge [sflag:s13], $0x80  }
0x19: {  	[sflag:s13] =	ssyncset.done $0x0  }
0x1a: {  	[sflag:s13] =	ssyncadd.s32 $0xFFFFFF80  }
0x1b: {  	[tilespmem:s14], [sflag:$0x2] =	stream.linear.gather [hbm4b:s10+s4], $0x80, $0x38;
	[tilespmem:$0x18100] =	vst v63  }
0x1c: {  	_ =	swait.ge [sflag:s13], $0x80  }
0x1d: {  	[sflag:s13] =	ssyncset.done $0x0  }
0x1e: {  	[sflag:s13] =	ssyncadd.s32 $0xFFFFFF80  }
0x1f: {  	[tilespmem:s15], [sflag:$0x1] =	stream.indirect.gather [hbm4b:s2+s14], $0x80, s4, s14, $0xb8;
	[tilespmem:$0x18100] =	vst v63  }
0x20: {  	p0 =	sne.s32 s6, $0x1;
	_ =	swait.ge [sflag:s16], $0x4000  }
.Ltmp0:
0x21: {  	[sflag:s16] =	ssyncset.done $0x0;
	(pc) =	sbr.rel @!p0 .LBB2_3-.Ltmp0, $4  }
0x22: {  	[sflag:s16] =	ssyncadd.s32 $0xFFFFC000  }
0x23: {  	[spmem:s3] =	stream.indirect.scatter.add.f32 [tilespmem:s15], [sflag:$0x2], $0x80, s14, s14, $0xb8;
	[tilespmem:$0x18100] =	vst v63  }
0x24: {  	s18 =	sadd.s32 $0xFFFFFFFF, s6;
	_ =	swait.ge [sflag:s13], $0x4000  }
0x25: {  	s19 =	smov.u32 s10;
	s20 =	smov.u32 s11;
	[sflag:s13] =	ssyncset.done $0x0  }
.LBB2_2:
0x26: {  	[sflag:s13] =	ssyncadd.s32 $0xFFFFC000;
	s19 =	sadd.s32 $0x10, s19;
	s20 =	sadd.s32 $0x10, s20  }
0x27: {  	[tilespmem:s4], [sflag:$0x2] =	stream.linear.gather [hbm4b:s20+s4], $0x80, $0x38;
	[tilespmem:$0x18100] =	vst v63  }
0x28: {  	p0 =	sne.s32 s18, $0x1;
	s18 =	sadd.s32 $0xFFFFFFFF, s18;
	_ =	swait.ge [sflag:s13], $0x80  }
0x29: {  	[sflag:s13] =	ssyncset.done $0x0  }
0x2a: {  	[sflag:s13] =	ssyncadd.s32 $0xFFFFFF80  }
0x2b: {  	[tilespmem:s14], [sflag:$0x2] =	stream.linear.gather [hbm4b:s19+s4], $0x80, $0x38;
	[tilespmem:$0x18100] =	vst v63  }
0x2c: {  	_ =	swait.ge [sflag:s13], $0x80  }
0x2d: {  	[sflag:s13] =	ssyncset.done $0x0  }
0x2e: {  	[sflag:s13] =	ssyncadd.s32 $0xFFFFFF80  }
0x2f: {  	[tilespmem:s15], [sflag:$0x1] =	stream.indirect.gather [hbm4b:s2+s14], $0x80, s4, s14, $0xb8;
	[tilespmem:$0x18100] =	vst v63  }
0x30: {  	_ =	swait.ge [sflag:s16], $0x4000  }
.Ltmp1:
0x31: {  	[sflag:s16] =	ssyncset.done $0x0;
	(pc) =	sbr.rel @p0 .LBB2_2-.Ltmp1, $4  }
0x32: {  	[sflag:s16] =	ssyncadd.s32 $0xFFFFC000  }
0x33: {  	[spmem:s3] =	stream.indirect.scatter.add.f32 [tilespmem:s15], [sflag:$0x2], $0x80, s14, s14, $0xb8;
	[tilespmem:$0x18100] =	vst v63  }
0x34: {  	_ =	swait.ge [sflag:s13], $0x4000  }
0x35: {  	[sflag:s13] =	ssyncset.done $0x0  }
.LBB2_3:
0x36: {  	s17 =	sadd.s32 $0x1, s17  }
0x37: {  	[sflag:s13] =	ssyncadd.s32 $0xFFFFC000;
	p0 =	sne.s32 s17, s9  }
.Ltmp2:
0x38: {  	[bflag:$0x0] =	sbarrier.arrive $0xFFFF;
	(pc) =	sbr.rel @p0 .LBB2_1-.Ltmp2, $4  }
0x39: {  	[hbm:s8], [sflag:s7] =	dma.local [spmem:s12], $0x2800  }
0x3a: {  	_ =	swait.ge [sflag:s13], $0x2800  }
0x3b: {  	[sflag:s13] =	ssyncset.done $0x0  }
0x3c: {  	[sflag:s13] =	ssyncadd.s32 $0xFFFFD800  }
0x3d: {  	_ =	sfence.sel $0x180000  }
0x3e: {  	[bflag:$0x0] =	sbarrier.arrive $0xFFFF  }
0x3f: {  	p0 =	sne.s32 s1, $0x0;
	_ =	strace $0x90000050  }
0x40: {  	s0 =	sadd.s32 @!p0 $0x100000, s0;
	[bflag:$0x2] =	sbarrier.arrive $0xFFFF  }
0x41: {  	[sflag:s0] =	ssyncadd.tile.s32 @!p0 $0x1;
	_ =	shalt  }
.Lfunc_end2:
_tile_overlayer_lowered:
.L_overlay_start_2:
0x42: {  	(tag) =	ssettag $0x2  }
0x43: {  	s0 =	rddreg [dreg:$0x0];
	s2 =	stileid.u32  }
0x44: {  	s1 =	rddreg [dreg:$0x1];
	p0 =	sne.s32 s2, $0x0  }
0x45: {  	s3 =	rddreg [dreg:$0x2];
	[bflag:$0x3] =	sbarrier.arrive $0xFFFF;
	s2 =	simm.s32 @!p0 $0x1C02  }
0x46: {  	[timem:s3], [sflag:s2] =	dma.local @!p0 [hbm:s0], s1  }
0x47: {  	s0 =	simm.s32 @!p0 $0x2  }
0x48: {  	_ =	swait.ge @!p0 [sflag:s0], s1  }
0x49: {  	s1 =	ssub.s32 @!p0 $0x0, s1;
	[sflag:s0] =	ssyncset.done @!p0 $0x0  }
0x4a: {  	[sflag:s0] =	ssyncadd.s32 @!p0 s1  }
0x4b: {  	[bflag:$0x3] =	sbarrier.arrive $0xFFFF  }
0x4c: {  	_ =	shalt  }

// kernel: kernel.34.cloned.1.call-start
scs
__scs_entry_jumppad:
0x0: {  	(pc) =	sbr.rel $0x88, $3  }
0x1: {  	(tag) =	ssettag $0x0;
	lr =	simm.s32 $0x1  }
0x2: {  	[smem:$0x3F88] =	sst lr;
	_ =	strace $0xD0000000  }
0x3: {  	_ = 	snop  }
0x4: {  	_ = 	snop  }
0x5: {  	_ = 	snop  }
0x6: {  	_ = 	snop  }
0x7: {  	_ = 	snop  }
__scs_overlays_trampoline_lowered:
0x8: {  	[smem:$0x3F97] =	sst s0  }
0x9: {  	[smem:$0x3F98] =	sst s1  }
0xa: {  	[smem:$0x3F99] =	sst s2  }
0xb: {  	[smem:$0x3F9A] =	sst s3  }
0xc: {  	[smem:$0x3F9B] =	sst s4  }
0xd: {  	[smem:$0x3F9C] =	sst s5  }
0xe: {  	[smem:$0x3F9D] =	sst s6  }
0xf: {  	[smem:$0x3F9E] =	sst s7  }
0x10: {  	[smem:$0x3F9F] =	sst s8  }
0x11: {  	[smem:$0x3FA0] =	sst s9;
	s0 =	simm.s32 @!p0 $0x0  }
0x12: {  	s1 =	sld [smem:$0x3F86];
	s0 =	simm.s32 @p0 $0x1  }
0x13: {  	[smem:$0x3FA1] =	sst s0;
	s0 =	simm.s32 @!p1 $0x0  }
0x14: {  	s2 =	sld [smem:$0x3F85];
	s0 =	simm.s32 @p1 $0x1  }
0x15: {  	[smem:$0x3FA2] =	sst s0;
	s0 =	simm.s32 @!p2 $0x0  }
0x16: {  	s3 =	sld [smem:$0x3FDB];
	s0 =	simm.s32 @p2 $0x1  }
0x17: {  	s4 =	simm.s32 $0x1BF5;
	[smem:$0x3FA4] =	sst s0  }
0x18: {  	s0 =	sld [smem:$0x3F87];
	_ =	swait.ge [sflag:s4], $0x0  }
0x19: {  	s7 =	sld [smem:$0x3F88]  }
0x1a: {  	s8 =	sadd.s32 $0xFFFFE003, lr  }
0x1b: {  	s9 =	sadd.s32 $0xFFFFFEF7, lr;
	s5 =	simm.s32 $0xFFFFFFFF;
	p2 =	slt.u32 s8, $0xFFFFF086  }
0x1c: {  	p1 =	slt.u32 s9, $0xF7A;
	s5 =	simm.s32 @!p2 $0x0  }
0x1d: {  	s5 =	simm.s32 @p1 $0x1;
	p0 =	seq.s32 s7, s2  }
0x1e: {  	s7 =	smul.u32 @!p0 $0xF7A, s2;
	p2 =	seq.s32 @!p0 s5, $0x0  }
0x1f: {  	s9 =	smul.u32 $0xF7A, s1;
	s8 =	simm.s32 @!p0 $0x1BF5;
	p2 =	por !p2, p0  }
0x20: {  	[sflag:s8] =	ssyncset.s32 @!p0 $0xFFFFF086;
	s6 =	sadd.s32 @!p0 s3, s7;
	s7 =	simm.s32 @!p0 $0x108  }
0x21: {  	s3 =	sadd.s32 s3, s9;
	s6 =	sadd.s32 @!p0 $0x88, s6;
	s7 =	simm.s32 @p2 $0x1082  }
0x22: {  	[simem:s7], [sflag:s8] =	dma.local @!p0 [hbm:s6], $0xF7A  }
0x23: {  	s9 =	sor.u32 $0xD0000000, s2;
	s6 =	simm.s32 $0x108;
	_ =	swait.ge @!p0 [sflag:s8], $0x0  }
0x24: {  	s3 =	sadd.s32 $0x88, s3;
	s6 =	simm.s32 @!p1 $0x1082;
	[sflag:s4] =	ssyncset.s32 $0xFFFFF086  }
0x25: {  	[simem:s6], [sflag:s4] =	dma.local [hbm:s3], $0xF7A  }
0x26: {  	[smem:$0x3F88] =	sst s1;
	(tag) =	ssettag s2;
	_ =	strace s9  }
0x27: {  	s1 =	sld [smem:$0x3F98]  }
0x28: {  	s2 =	sld [smem:$0x3F99]  }
0x29: {  	s4 =	sld [smem:$0x3F9B]  }
0x2a: {  	p0 =	seq.s32 s5, $0x0;
	s5 =	sld [smem:$0x3F9C]  }
0x2b: {  	s6 =	sld [smem:$0x3F9D]  }
0x2c: {  	s7 =	sld [smem:$0x3F9E]  }
0x2d: {  	s3 =	simm.s32 $0x108;
	s8 =	sld [smem:$0x3F9F]  }
0x2e: {  	s3 =	simm.s32 @!p0 $0x1082;
	s9 =	sld [smem:$0x3FA0]  }
0x2f: {  	lr =	sadd.s32 s0, s3;
	s0 =	sld [smem:$0x3F97]  }
0x30: {  	s3 =	sld [smem:$0x3F9A]  }
0x31: {  	[smem:$0x3FA3] =	sst s10  }
0x32: {  	s10 =	sld [smem:$0x3FA1];
	_ =	sdelay $0x3  }
0x33: {  	p0 =	seq.s32 s10, $0x1;
	s10 =	sld [smem:$0x3FA3];
	_ =	sdelay $0x3  }
0x34: {  	[smem:$0x3FA3] =	sst s10  }
0x35: {  	s10 =	sld [smem:$0x3FA2];
	_ =	sdelay $0x3  }
0x36: {  	p1 =	seq.s32 s10, $0x1;
	s10 =	sld [smem:$0x3FA3];
	_ =	sdelay $0x3  }
0x37: {  	[smem:$0x3FA3] =	sst s10  }
0x38: {  	s10 =	sld [smem:$0x3FA4]  }
0x39: {  	_ = 	snop;
	(pc) =	sbr.ind lr, $3  }
0x3a: {  	_ = 	snop  }
0x3b: {  	_ = 	snop  }
0x3c: {  	p2 =	seq.s32 s10, $0x1;
	s10 =	sld [smem:$0x3FA3]  }
0x3d: {  	_ =	shalt  }
0x3e: {  	_ =	shalt  }
0x3f: {  	_ =	shalt  }
0x40: {  	_ =	shalt  }
0x41: {  	_ =	shalt  }
0x42: {  	_ =	shalt  }
0x43: {  	_ =	shalt  }
0x44: {  	_ =	shalt  }
0x45: {  	_ =	shalt  }
0x46: {  	_ =	shalt  }
0x47: {  	_ =	shalt  }
0x48: {  	_ =	shalt  }
0x49: {  	_ =	shalt  }
0x4a: {  	_ =	shalt  }
0x4b: {  	_ =	shalt  }
0x4c: {  	_ =	shalt  }
0x4d: {  	_ =	shalt  }
0x4e: {  	_ =	shalt  }
0x4f: {  	_ =	shalt  }
0x50: {  	_ =	shalt  }
0x51: {  	_ =	shalt  }
0x52: {  	_ =	shalt  }
0x53: {  	_ =	shalt  }
0x54: {  	_ =	shalt  }
0x55: {  	_ =	shalt  }
0x56: {  	_ =	shalt  }
0x57: {  	_ =	shalt  }
0x58: {  	_ =	shalt  }
0x59: {  	_ =	shalt  }
0x5a: {  	_ =	shalt  }
0x5b: {  	_ =	shalt  }
0x5c: {  	_ =	shalt  }
0x5d: {  	_ =	shalt  }
0x5e: {  	_ =	shalt  }
0x5f: {  	_ =	shalt  }
0x60: {  	_ =	shalt  }
0x61: {  	_ =	shalt  }
0x62: {  	_ =	shalt  }
0x63: {  	_ =	shalt  }
0x64: {  	_ =	shalt  }
0x65: {  	_ =	shalt  }
0x66: {  	_ =	shalt  }
0x67: {  	_ =	shalt  }
0x68: {  	_ =	shalt  }
0x69: {  	_ =	shalt  }
0x6a: {  	_ =	shalt  }
0x6b: {  	_ =	shalt  }
0x6c: {  	_ =	shalt  }
0x6d: {  	_ =	shalt  }
0x6e: {  	_ =	shalt  }
0x6f: {  	_ =	shalt  }
0x70: {  	_ =	shalt  }
0x71: {  	_ =	shalt  }
0x72: {  	_ =	shalt  }
0x73: {  	_ =	shalt  }
0x74: {  	_ =	shalt  }
0x75: {  	_ =	shalt  }
0x76: {  	_ =	shalt  }
0x77: {  	_ =	shalt  }
0x78: {  	_ =	shalt  }
0x79: {  	_ =	shalt  }
0x7a: {  	_ =	shalt  }
0x7b: {  	_ =	shalt  }
0x7c: {  	_ =	shalt  }
0x7d: {  	_ =	shalt  }
0x7e: {  	_ =	shalt  }
0x7f: {  	_ =	shalt  }
0x80: {  	_ =	shalt  }
0x81: {  	_ =	shalt  }
0x82: {  	_ =	shalt  }
0x83: {  	_ =	shalt  }
0x84: {  	_ =	shalt  }
0x85: {  	_ =	shalt  }
0x86: {  	_ =	shalt  }
0x87: {  	_ =	shalt  }
.Lfunc_end0:
.L_simem_size_0:
called_computation.4_lowered:
.L_overlay_start_0:
0x88: {  	s2 =	sld [smem:$0x3FD9]  }
0x89: {  	s3 =	sld [smem:$0x3FFE];
	_ =	sdelay $0x1  }
0x8a: {  	s1 =	srdreg.scid  }
0x8b: {  	s0 =	sand.u32 $0x1, s1  }
0x8c: {  	s16 =	sshll.u32 s0, $0xA;
	s2 =	sadd.s32 s3, s2  }
0x8d: {  	s2 =	sadd.s32 s2, s16  }
0x8e: {  	[smem:$0x3FAF] =	sst s2  }
0x8f: {  	_ = 	snop  }
0x90: {  	(tm) =	ssettm $0x1  }
0x91: {  	s17 =	sld [smem:$0x3FFB];
	_ =	sdelay $0x3  }
0x92: {  	_ =	strace s17  }
0x93: {  	s2 =	sld [smem:$0x3FFC];
	_ =	sdelay $0x3  }
0x94: {  	_ =	strace s2  }
0x95: {  	s2 =	sld [smem:$0x3FFD];
	_ =	sdelay $0x3  }
0x96: {  	_ =	strace s2  }
0x97: {  	_ =	strace $0x8FFFFFFF  }
0x98: {  	s18 =	sld [smem:$0x3FDB];
	_ =	sdelay $0x1  }
0x99: {  	s19 =	simm.s32 $_scs_section_size  }
0x9a: {  	s4 =	simm.s32 $_size__tile_overlayer_lowered;
	s5 =	simm.s32 $_tile_overlayer_lowered  }
0x9b: {  	s22 =	simm.s32 $0x1BFF;
	s21 =	sshll.u32 s5, $0x1;
	s2 =	sadd.s32 s19, s18  }
0x9c: {  	s6 =	simm.s32 $0x0;
	s20 =	sshll.u32 s4, $0x1;
	s4 =	sadd.s32 s21, s2  }
0x9d: {  	[timem:s6], [sflag:s22] =	dma.local [hbm:s4], s20  }
0x9e: {  	_ =	swait.ge [sflag:s22], s20  }
0x9f: {  	s3 =	ssub.s32 $0x0, s20;
	[sflag:s22] =	ssyncset.done $0x0  }
0xa0: {  	[sflag:s22] =	ssyncadd.s32 s3;
	_ =	sdelay $0x1  }
0xa1: {  	s23 =	simm.s32 $0x1B8B  }
0xa2: {  	_ =	swait.ge [sflag:s23], $0x1  }
0xa3: {  	[sflag:s23] =	ssyncset.done $0x0  }
0xa4: {  	s25 =	simm.s32 $0x1B8E;
	s24 =	sld [smem:$0x3FFE];
	[sflag:s23] =	ssyncadd.s32 $0xFFFFFFFF  }
0xa5: {  	s26 =	simm.s32 $execute0_lowered;
	[smem:$0x3FD2] =	sst s25  }
0xa6: {  	s4 =	sshll.u32 s26, $0x1;
	_ =	strace $0x80000052;
	[dreg:$0x1] =	wrdreg $0xFFFFFFFF  }
0xa7: {  	s28 =	simm.s32 $_size_execute0_lowered;
	s2 =	sadd.s32 s2, s4;
	[dreg:$0x0] =	wrdreg $0x0  }
0xa8: {  	s4 =	sshll.u32 s28, $0x1;
	[dreg:$0x2] =	wrdreg s2  }
0xa9: {  	[dreg:$0x3] =	wrdreg s4  }
0xaa: {  	[dreg:$0x4] =	wrdreg $0xC0  }
0xab: {  	_ =	task [dreg:s6], $0x5FFFF  }
0xac: {  	[dreg:$0x1] =	wrdreg $0xFFFFFFFF  }
0xad: {  	[dreg:$0x0] =	wrdreg $0x60  }
0xae: {  	[dreg:$0x2] =	wrdreg s24  }
0xaf: {  	[dreg:$0x3] =	wrdreg $0x41000  }
0xb0: {  	[dreg:$0x4] =	wrdreg $0x9  }
0xb1: {  	_ =	task.clear_ibuf [dreg:s6], $0x5FFFF;
	_ =	strace $0x90000052  }
0xb2: {  	s29 =	simm.s32 $0x9;
	_ =	strace $0x80000054  }
0xb3: {  	_ =	swait.ge [sflag:s29], $0x1  }
0xb4: {  	[sflag:s29] =	ssyncadd.s32 $0xFFFFFFFF  }
0xb5: {  	_ =	strace $0x90000054  }
0xb6: {  	_ =	sfence  }
0xb7: {  	s30 =	sld [smem:$0x0];
	_ =	sdelay $0x2  }
0xb8: {  	s31 =	sshll.u32 s1, $0xD;
	s1 =	sshrl.u32 s1, $0x2  }
0xb9: {  	s3 =	sand.u32 $0x4000, s31;
	s1 =	sadd.s32 s1, s30  }
0xba: {  	s0 =	sor.u32 s3, s0;
	s1 =	sshll.u32 s1, $0x11  }
0xbb: {  	s0 =	sor.u32 s1, s0  }
0xbc: {  	s0 =	sadd.s32 $0x8F2B, s0  }
0xbd: {  	[sflag:s0] =	ssyncadd.remote.s32 $0x1  }
0xbe: {  	_ =	sfence.sel $0xFFFF  }
0xbf: {  	[dreg:$0x0] =	wrdreg $0xFFFFFFFF;
	(pc) =	sbr.abs _section_cstart, $3  }
0xc0: {  	[dreg:$0x1] =	wrdreg $0xFFFFFFFF  }
0xc1: {  	_ =	task.clear_ibuf [dreg:s6], $0x2FFFF;
	_ =	strace $0x9FFFFFFF  }
0xc2: {  	(tm) =	ssettm $0x7FFFFFFF  }
0xc3: {  	_ =	shalt  }
tec
execute0_lowered:
.L_overlay_start_1:
0x0: {  	(tag) =	ssettag $0x1  }
0x1: {  	s6 =	rddreg [dreg:$0x0]  }
0x2: {  	s2 =	rddreg [dreg:$0x1]  }
0x3: {  	s0 =	rddreg [dreg:$0x2]  }
0x4: {  	s1 =	stileid.u32;
	s4 =	srdreg.scid;
	s3 =	simm.s32 $0x0  }
0x5: {  	s13 =	simm.s32 $0x2;
	s14 =	simm.s32 $0x80;
	s5 =	smul.u32 $0x2E, s1  }
0x6: {  	s15 =	simm.s32 $0x100;
	s7 =	sand.u32 $0x1, s4;
	s4 =	smul.u32 $0x70, s1  }
0x7: {  	s16 =	simm.s32 $0x1;
	s17 =	simm.s32 $0x0;
	s8 =	smul.u32 $0x2800, s1  }
0x8: {  	[smem:$0x7FF] =	sst s3;
	s10 =	smul.u32 $0x50000, s1;
	s31 =	sshll.u32 s1, $0x6  }
0x9: {  	p0 =	seq.s32 s7, $0x0;
	s9 =	smul.u32 $0x28000, s7;
	s7 =	ssub.s32 $0x2, s7  }
0xa: {  	_ =	strace $0x80000053;
	s5 =	sadd.s32 $0x700, s5;
	s29 =	sshrl.u32 s7, $0x1  }
0xb: {  	s30 =	sshrl.u32 s10, $0x2;
	s5 =	smov.u32 @p0 s4;
	s4 =	sadd.s32 $0x82600, s6  }
0xc: {  	s8 =	sadd.s32 s8, s9;
	s9 =	ssub.s32 s7, s29;
	s12 =	sadd.s32 s30, s2  }
0xd: {  	s7 =	sor.u32 $0x1C02, s31;
	s5 =	sshll.u32 s5, $0x4;
	s8 =	sadd.s32 s8, s6  }
0xe: {  	s9 =	smax.u32 s9, $0x1;
	s12 =	sshrl.u32 s12, $0x3;
	s11 =	sadd.s32 s5, s6  }
0xf: {  	s5 =	sadd.s32 $0x31A00, s6;
	s6 =	simm.s32 $0x70;
	s8 =	sadd.s32 $0xA9800, s8  }
0x10: {  	s6 =	simm.s32 @!p0 $0x2E;
	s10 =	sadd.s32 $0x14000, s11;
	s11 =	sadd.s32 $0xA200, s11  }
.LBB2_1:
0x11: {  	[spmem:s12], [sflag:s7] =	dma.local [hbm:s5], $0x2800  }
0x12: {  	_ =	swait.ge [sflag:s13], $0x2800  }
0x13: {  	[sflag:s13] =	ssyncset.done $0x0  }
0x14: {  	[sflag:s13] =	ssyncadd.s32 $0xFFFFD800  }
0x15: {  	[bflag:$0x0] =	sbarrier.arrive $0xFFFF  }
0x16: {  	[tilespmem:s3], [sflag:$0x2] =	stream.linear.gather [hbm4b:s11+s3], $0x80, $0x38;
	[tilespmem:$0x18100] =	vst v63  }
0x17: {  	_ =	swait.ge [sflag:s13], $0x80  }
0x18: {  	[sflag:s13] =	ssyncset.done $0x0  }
0x19: {  	[sflag:s13] =	ssyncadd.s32 $0xFFFFFF80  }
0x1a: {  	[tilespmem:s14], [sflag:$0x2] =	stream.linear.gather [hbm4b:s10+s3], $0x80, $0x38;
	[tilespmem:$0x18100] =	vst v63  }
0x1b: {  	_ =	swait.ge [sflag:s13], $0x80  }
0x1c: {  	[sflag:s13] =	ssyncset.done $0x0  }
0x1d: {  	[sflag:s13] =	ssyncadd.s32 $0xFFFFFF80  }
0x1e: {  	[tilespmem:s15], [sflag:$0x1] =	stream.indirect.gather [hbm4b:s4+s14], $0x80, s3, s14, $0xb8;
	[tilespmem:$0x18100] =	vst v63  }
0x1f: {  	p0 =	sne.s32 s6, $0x1;
	_ =	swait.ge [sflag:s16], $0x4000  }
.Ltmp0:
0x20: {  	[sflag:s16] =	ssyncset.done $0x0;
	(pc) =	sbr.rel @!p0 .LBB2_3-.Ltmp0, $4  }
0x21: {  	[sflag:s16] =	ssyncadd.s32 $0xFFFFC000  }
0x22: {  	[spmem:s2] =	stream.indirect.scatter.add.f32 [tilespmem:s15], [sflag:$0x2], $0x80, s14, s14, $0xb8;
	[tilespmem:$0x18100] =	vst v63  }
0x23: {  	s18 =	sadd.s32 $0xFFFFFFFF, s6;
	_ =	swait.ge [sflag:s13], $0x4000  }
0x24: {  	s19 =	smov.u32 s10;
	s20 =	smov.u32 s11;
	[sflag:s13] =	ssyncset.done $0x0  }
.LBB2_2:
0x25: {  	[sflag:s13] =	ssyncadd.s32 $0xFFFFC000;
	s19 =	sadd.s32 $0x10, s19;
	s20 =	sadd.s32 $0x10, s20  }
0x26: {  	[tilespmem:s3], [sflag:$0x2] =	stream.linear.gather [hbm4b:s20+s3], $0x80, $0x38;
	[tilespmem:$0x18100] =	vst v63  }
0x27: {  	p0 =	sne.s32 s18, $0x1;
	s18 =	sadd.s32 $0xFFFFFFFF, s18;
	_ =	swait.ge [sflag:s13], $0x80  }
0x28: {  	[sflag:s13] =	ssyncset.done $0x0  }
0x29: {  	[sflag:s13] =	ssyncadd.s32 $0xFFFFFF80  }
0x2a: {  	[tilespmem:s14], [sflag:$0x2] =	stream.linear.gather [hbm4b:s19+s3], $0x80, $0x38;
	[tilespmem:$0x18100] =	vst v63  }
0x2b: {  	_ =	swait.ge [sflag:s13], $0x80  }
0x2c: {  	[sflag:s13] =	ssyncset.done $0x0  }
0x2d: {  	[sflag:s13] =	ssyncadd.s32 $0xFFFFFF80  }
0x2e: {  	[tilespmem:s15], [sflag:$0x1] =	stream.indirect.gather [hbm4b:s4+s14], $0x80, s3, s14, $0xb8;
	[tilespmem:$0x18100] =	vst v63  }
0x2f: {  	_ =	swait.ge [sflag:s16], $0x4000  }
.Ltmp1:
0x30: {  	[sflag:s16] =	ssyncset.done $0x0;
	(pc) =	sbr.rel @p0 .LBB2_2-.Ltmp1, $4  }
0x31: {  	[sflag:s16] =	ssyncadd.s32 $0xFFFFC000  }
0x32: {  	[spmem:s2] =	stream.indirect.scatter.add.f32 [tilespmem:s15], [sflag:$0x2], $0x80, s14, s14, $0xb8;
	[tilespmem:$0x18100] =	vst v63  }
0x33: {  	_ =	swait.ge [sflag:s13], $0x4000  }
0x34: {  	[sflag:s13] =	ssyncset.done $0x0  }
.LBB2_3:
0x35: {  	s17 =	sadd.s32 $0x1, s17  }
0x36: {  	[sflag:s13] =	ssyncadd.s32 $0xFFFFC000;
	p0 =	sne.s32 s17, s9  }
.Ltmp2:
0x37: {  	[bflag:$0x0] =	sbarrier.arrive $0xFFFF;
	(pc) =	sbr.rel @p0 .LBB2_1-.Ltmp2, $4  }
0x38: {  	[hbm:s8], [sflag:s7] =	dma.local [spmem:s12], $0x2800  }
0x39: {  	_ =	swait.ge [sflag:s13], $0x2800  }
0x3a: {  	[sflag:s13] =	ssyncset.done $0x0  }
0x3b: {  	[sflag:s13] =	ssyncadd.s32 $0xFFFFD800  }
0x3c: {  	_ =	sfence.sel $0x180000  }
0x3d: {  	[bflag:$0x0] =	sbarrier.arrive $0xFFFF  }
0x3e: {  	p0 =	sne.s32 s1, $0x0;
	_ =	strace $0x90000053  }
0x3f: {  	s0 =	sadd.s32 @!p0 $0x100000, s0;
	[bflag:$0x2] =	sbarrier.arrive $0xFFFF  }
0x40: {  	[sflag:s0] =	ssyncadd.tile.s32 @!p0 $0x1;
	_ =	shalt  }
.Lfunc_end2:
_tile_overlayer_lowered:
.L_overlay_start_2:
0x41: {  	(tag) =	ssettag $0x2  }
0x42: {  	s0 =	rddreg [dreg:$0x0];
	s2 =	stileid.u32  }
0x43: {  	s1 =	rddreg [dreg:$0x1];
	p0 =	sne.s32 s2, $0x0  }
0x44: {  	s3 =	rddreg [dreg:$0x2];
	[bflag:$0x3] =	sbarrier.arrive $0xFFFF;
	s2 =	simm.s32 @!p0 $0x1C02  }
0x45: {  	[timem:s3], [sflag:s2] =	dma.local @!p0 [hbm:s0], s1  }
0x46: {  	s0 =	simm.s32 @!p0 $0x2  }
0x47: {  	_ =	swait.ge @!p0 [sflag:s0], s1  }
0x48: {  	s1 =	ssub.s32 @!p0 $0x0, s1;
	[sflag:s0] =	ssyncset.done @!p0 $0x0  }
0x49: {  	[sflag:s0] =	ssyncadd.s32 @!p0 s1  }
0x4a: {  	[bflag:$0x3] =	sbarrier.arrive $0xFFFF  }
0x4b: {  	_ =	shalt  }

</sc_bundles>
